<compile_context>
chip_gen: v7x
topology: tpu7x:2x2x1
jax: 0.10.2.dev20260603
libtpu: 0.0.44.dev20260713+nightly
codegen_flags: <defaults>
</compile_context>

<pallas_src>
import functools

import jax
import jax.numpy as jnp
from jax import lax
from jax.experimental import pallas as pl
from jax.experimental.pallas import tpu as pltpu
from jax.experimental.pallas import tpu_sc as plsc

IGNORE = 255
RATIO = 0.1
THRESH = 2.5

N, CB, H, W = 4, 19, 512, 512
CT = 2
BH = 128
TOTAL = N * H * W
NTILES = 32
CHUNK = TOTAL // NTILES
NBINS = 2048
INVW = NBINS / THRESH
UNROLL = 8



def _loss_stats_body(lb_ref, lt_ref, lblb_ref, lblt_ref, idx_ref, stats_ref):
    n = pl.program_id(0)
    h = pl.program_id(1)
    lblb = lblb_ref[0]
    lblt = lblt_ref[0]

    x = lb_ref[0, 0]
    m_b = x
    xsel_b = jnp.where(lblb == 0, x, 0.0)
    for c in range(1, CB):
        x = lb_ref[0, c]
        m_b = jnp.maximum(m_b, x)
        xsel_b = jnp.where(lblb == c, x, xsel_b)
    s_b = jnp.exp(lb_ref[0, 0] - m_b)
    for c in range(1, CB):
        s_b = s_b + jnp.exp(lb_ref[0, c] - m_b)
    valid_b = (lblb != IGNORE).astype(jnp.float32)
    ce_b = (jnp.log(s_b) + m_b - xsel_b) * valid_b

    t0 = lt_ref[0, 0]
    t1 = lt_ref[0, 1]
    m_t = jnp.maximum(t0, t1)
    xsel_t = jnp.where(lblt == 1, t1, jnp.where(lblt == 0, t0, 0.0))
    s_t = jnp.exp(t0 - m_t) + jnp.exp(t1 - m_t)
    valid_t = (lblt != IGNORE).astype(jnp.float32)
    ce_t = (jnp.log(s_t) + m_t - xsel_t) * valid_t

    hier = (m_b - m_t) ** 2
    loss = ce_t + hier + ce_b

    b = jnp.minimum((loss * INVW).astype(jnp.int32), NBINS - 1)
    slot = jnp.where(lblt == 1, NBINS, 0) + b
    idx_ref[0] = jnp.where(loss <= THRESH, slot, -1)

    so = (lblt == 1).astype(jnp.float32)
    sl = (lblt == 0).astype(jnp.float32)
    hard = (loss > THRESH).astype(jnp.float32)

    def rsum(v):
        return jnp.sum(v, axis=0, keepdims=True)

    rows = jnp.concatenate([
        rsum(so), rsum(loss * so), rsum(so * hard), rsum(loss * so * hard),
        rsum(sl), rsum(loss * sl), rsum(sl * hard), rsum(loss * sl * hard),
        rsum(valid_b), jnp.zeros((7, W), jnp.float32),
    ], axis=0)

    @pl.when((n == 0) & (h == 0))
    def _():
        stats_ref[...] = jnp.zeros_like(stats_ref)

    stats_ref[...] += rows


def _loss_and_stats(logits_bottom, logits_top, lbl_bottom, lbl_top):
    return pl.pallas_call(
        _loss_stats_body,
        grid=(N, H // BH),
        in_specs=[
            pl.BlockSpec((1, CB, BH, W), lambda n, h: (n, 0, h, 0)),
            pl.BlockSpec((1, CT, BH, W), lambda n, h: (n, 0, h, 0)),
            pl.BlockSpec((1, BH, W), lambda n, h: (n, h, 0)),
            pl.BlockSpec((1, BH, W), lambda n, h: (n, h, 0)),
        ],
        out_specs=[
            pl.BlockSpec((1, BH, W), lambda n, h: (n, h, 0)),
            pl.BlockSpec((16, W), lambda n, h: (0, 0)),
        ],
        out_shape=[
            jax.ShapeDtypeStruct((N, H, W), jnp.int32),
            jax.ShapeDtypeStruct((16, W), jnp.float32),
        ],
    )(logits_bottom, logits_top, lbl_bottom, lbl_top)



def _sc_hist_body(idx_hbm, ocnt_hbm, idx_v, hcnt_v):
    wid = lax.axis_index("s") * 2 + lax.axis_index("c")
    base = wid * CHUNK
    pltpu.sync_copy(idx_hbm.at[pl.ds(base, CHUNK)], idx_v)

    zeros16 = jnp.zeros((16,), jnp.float32)

    def init(i, carry):
        hcnt_v[pl.ds(i * 16, 16)] = zeros16
        return carry

    lax.fori_loop(0, (2 * NBINS) // 16, init, 0)

    ones16 = jnp.ones((16,), jnp.float32)

    def body(i, carry):
        for j in range(UNROLL):
            off = (i * UNROLL + j) * 16
            iv = idx_v[pl.ds(off, 16)]
            keep = iv >= 0
            safe = jnp.maximum(iv, 0)
            plsc.addupdate_scatter(hcnt_v, [safe], ones16, mask=keep)
        return carry

    lax.fori_loop(0, CHUNK // (16 * UNROLL), body, 0)

    pltpu.sync_copy(hcnt_v, ocnt_hbm.at[wid])


def _sc_hist(idx_flat):
    mesh = plsc.VectorSubcoreMesh(core_axis_name="c", subcore_axis_name="s")
    fn = pl.kernel(
        _sc_hist_body,
        out_type=jax.ShapeDtypeStruct((NTILES, 2 * NBINS), jnp.float32),
        mesh=mesh,
        scratch_types=[
            pltpu.VMEM((CHUNK,), jnp.int32),
            pltpu.VMEM((2 * NBINS,), jnp.float32),
        ],
        compiler_params=pltpu.CompilerParams(needs_layout_passes=False),
    )
    return fn(idx_flat)



def _suffix_topk(hc, centers, k):
    S = hc
    d = 1
    while d < NBINS:
        S = S + jnp.concatenate(
            [S[:, d:], jnp.zeros((1, d), jnp.float32)], axis=1)
        d *= 2
    full = (S <= k).astype(jnp.float32)
    cnt_full = jnp.sum(full * hc)
    sum_full = jnp.sum(full * hc * centers)
    above = S - hc
    part = ((S > k) & (above <= k)).astype(jnp.float32)
    center_t = jnp.sum(part * centers)
    return sum_full + (k - cnt_full) * center_t


def _finalize_body(stats_ref, hcnt_ref, out_ref):
    stats = stats_ref[...]
    cnt_s = jnp.sum(stats[0:1, :])
    sum_s = jnp.sum(stats[1:2, :])
    hcnt_s = jnp.sum(stats[2:3, :])
    hsum_s = jnp.sum(stats[3:4, :])
    cnt_l = jnp.sum(stats[4:5, :])
    sum_l = jnp.sum(stats[5:6, :])
    hcnt_l = jnp.sum(stats[6:7, :])
    hsum_l = jnp.sum(stats[7:8, :])
    n_valid = jnp.sum(stats[8:9, :])
    n_min = jnp.floor(n_valid * RATIO)

    hc = jnp.sum(hcnt_ref[...], axis=0, keepdims=True)
    centers = (lax.broadcasted_iota(jnp.int32, (1, NBINS), 1)
               .astype(jnp.float32) + 0.5) / INVW
    topk_l = hsum_l + _suffix_topk(hc[:, :NBINS], centers, n_min - hcnt_l)
    topk_s = hsum_s + _suffix_topk(hc[:, NBINS:], centers, n_min - hcnt_s)

    def select(cnt, sum_all, cnt_hard, sum_hard, topk):
        sum_sel = jnp.where(
            cnt_hard < n_min,
            jnp.where(cnt <= n_min, sum_all, topk),
            sum_hard,
        )
        cnt_sel = jnp.where(
            cnt_hard < n_min,
            jnp.where(cnt <= n_min, cnt, n_min),
            cnt_hard,
        )
        return sum_sel, cnt_sel

    ss, cs = select(cnt_s, sum_s, hcnt_s, hsum_s, topk_s)
    sl_, cl_ = select(cnt_l, sum_l, hcnt_l, hsum_l, topk_l)
    out_ref[0, 0] = (ss + sl_) / (cs + cl_)


def _finalize(stats, hcnt):
    return pl.pallas_call(
        _finalize_body,
        out_specs=pl.BlockSpec(memory_space=pltpu.SMEM),
        out_shape=jax.ShapeDtypeStruct((1, 1), jnp.float32),
    )(stats, hcnt)



def kernel(logits_bottom, logits_top, lbl_bottom, lbl_top):
    idx, stats = _loss_and_stats(logits_bottom, logits_top,
                                 lbl_bottom, lbl_top)
    hcnt = _sc_hist(idx.reshape(-1))
    out = _finalize(stats, hcnt)
    return out[0, 0]

# --- scband reference (transcript-rebuilt; emitter-appended) ---
"""Pipeline reference for scband-hierarchical-seg-loss-33990371180802 (READ-ONLY COPY).

The authoritative reference and input builder live on the scoring server;
editing this copy changes nothing except your own understanding.
"""

import jax, jax.numpy as jnp
import numpy as np

IGNORE = 255
RATIO = 0.1
THRESH = 2.5  # is_hier=True -> threshold 2.5


def _per_pixel_ce(logits, labels, ignore):
    # logits: [N, C, H, W], labels: [N, H, W] int
    logp = jax.nn.log_softmax(logits, axis=1)
    valid = labels != ignore
    safe = jnp.where(valid, labels, 0)
    ll = jnp.take_along_axis(logp, safe[:, None, :, :], axis=1)[:, 0]
    return -ll * valid.astype(logits.dtype)


def _hier(lb, lt):
    # hierarchical consistency loss between bottom and top logits (per pixel)
    return (jnp.max(lb, axis=1) - jnp.max(lt, axis=1)) ** 2


def _joint_loss(logits_bottom, logits_top, lbl_bottom, lbl_top):
    loss_bottom = _per_pixel_ce(logits_bottom, lbl_bottom, IGNORE)
    loss_top = _per_pixel_ce(logits_top, lbl_top, IGNORE)
    loss_hier = _hier(logits_bottom, logits_top)
    return loss_top + loss_hier + loss_bottom


def setup_inputs(seed: int = 0):
    key = jax.random.key(seed)
    k1, k2, k3, k4 = jax.random.split(key, 4)
    logits_bottom = jax.random.normal(k1, (4, 19, 512, 512), dtype=jnp.float32)
    logits_top = jax.random.normal(k2, (4, 2, 512, 512), dtype=jnp.float32)
    lbl_bottom = jax.random.randint(k3, (4, 512, 512), 0, 19, dtype=jnp.int32)
    lbl_top = jax.random.randint(k4, (4, 512, 512), 0, 2, dtype=jnp.int32)
    return {
        "logits_bottom": logits_bottom,
        "logits_top": logits_top,
        "lbl_bottom": lbl_bottom,
        "lbl_top": lbl_top,
    }


def _soem_group(loss_flat, mask, n_min):
    cnt = jnp.sum(mask)
    sum_all = jnp.sum(jnp.where(mask, loss_flat, 0.0))
    hard = mask & (loss_flat > THRESH)
    cnt_hard = jnp.sum(hard)
    sum_hard = jnp.sum(jnp.where(hard, loss_flat, 0.0))
    sorted_desc = jnp.sort(jnp.where(mask, loss_flat, -jnp.inf))[::-1]
    idx = jnp.arange(loss_flat.shape[0])
    topk_sum = jnp.sum(jnp.where(idx < n_min, sorted_desc, 0.0))
    sum_sel = jnp.where(
        cnt_hard < n_min,
        jnp.where(cnt <= n_min, sum_all, topk_sum),
        sum_hard,
    )
    cnt_sel = jnp.where(
        cnt_hard < n_min,
        jnp.where(cnt <= n_min, cnt, n_min),
        cnt_hard,
    )
    return sum_sel, cnt_sel


def reference(logits_bottom, logits_top, lbl_bottom, lbl_top):
    loss = _joint_loss(logits_bottom, logits_top, lbl_bottom, lbl_top)
    # --- SOEM: small object example mining (fixed-shape masked form) ---
    n_valid = jnp.sum(lbl_bottom != IGNORE)
    n_min = jnp.floor(n_valid * RATIO).astype(n_valid.dtype)
    loss_flat = loss.reshape(-1)
    so_flat = lbl_top.reshape(-1)
    sum_s, cnt_s = _soem_group(loss_flat, so_flat == 1, n_min)
    sum_l, cnt_l = _soem_group(loss_flat, so_flat == 0, n_min)
    denom = cnt_s + cnt_l
    loss_hard = (sum_s + sum_l) / denom
    return loss_hard

if __name__ == "__main__":
    import jax
    _d = setup_inputs()
    print(jax.jit(kernel)(*tuple(_d.values())))

</pallas_src>

<mosaic_0001>
#map = affine_map<(d0, d1) -> (0)>
#map1 = affine_map<(d0, d1) -> (0, 0)>
module attributes {stable_mosaic.version = 14 : i64} {
  func.func @_sc_hist_body(%arg0: i32, %arg1: i32, %arg2: memref<1048576xi32, #tpu.memory_space<hbm>>, %arg3: memref<32x4096xf32, #tpu.memory_space<hbm>>, %arg4: memref<32768xi32, #tpu.memory_space<vmem>>, %arg5: memref<4096xf32, #tpu.memory_space<vmem>>) attributes {dimension_semantics = [#tpu.dimension_semantics<core_parallel>, #tpu.dimension_semantics<subcore_parallel>], iteration_bounds = array<i64: 2, 16>, scalar_prefetch = 0 : i64, scratch_operands = 2 : i64, tpu.core_type = #tpu.core_type<sc_vector_subcore>, window_params = [{transform_indices = #map}, {transform_indices = #map1}]} {
    %mul3A = arith.constant 2 : i32
    %mul3A_0 = arith.muli %arg1, %mul3A : i32
    %add3A = arith.addi %mul3A_0, %arg0 : i32
    %mul3A_1 = arith.constant 32768 : i32
    %mul3A_2 = arith.muli %add3A, %mul3A_1 : i32
    "tpu.region"() ({
      %run_scoped3A = tpu.sem_alloc : memref<!tpu.dma_semaphore, #tpu.memory_space<semaphore_mem>>
      %dma_start3A = tpu.memref_slice %arg2[%mul3A_2] : memref<1048576xi32, #tpu.memory_space<hbm>> -> memref<32768xi32, #tpu.memory_space<hbm>>
      %dma_start3A_17 = tpu.memref_slice %arg2[%mul3A_2] : memref<1048576xi32, #tpu.memory_space<hbm>> -> memref<32768xi32, #tpu.memory_space<hbm>>
      tpu.enqueue_dma source(%dma_start3A_17 : memref<32768xi32, #tpu.memory_space<hbm>>) target(%arg4 : memref<32768xi32, #tpu.memory_space<vmem>>) target_semaphore(%run_scoped3A : memref<!tpu.dma_semaphore, #tpu.memory_space<semaphore_mem>>)
      %dma_wait3A = tpu.memref_slice %arg2[%mul3A_2] : memref<1048576xi32, #tpu.memory_space<hbm>> -> memref<32768xi32, #tpu.memory_space<hbm>>
      %dma_wait3A_18 = tpu.memref_slice %arg2[%mul3A_2] : memref<1048576xi32, #tpu.memory_space<hbm>> -> memref<32768xi32, #tpu.memory_space<hbm>>
      tpu.wait_dma2 semaphore(%run_scoped3A : memref<!tpu.dma_semaphore, #tpu.memory_space<semaphore_mem>>) src(%dma_wait3A_18 : memref<32768xi32, #tpu.memory_space<hbm>>) dst(%arg4 : memref<32768xi32, #tpu.memory_space<vmem>>)
      tpu.yield
    }) : () -> ()
    %broadcast_in_dim3A = arith.constant 0.000000e+00 : f32
    %broadcast_in_dim3A_3 = vector.broadcast %broadcast_in_dim3A : f32 to vector<16xf32>
    %scan3A = arith.constant 0 : i32
    %scan3A_4 = arith.constant 0 : i32
    %scan3A_5 = arith.constant 256 : i32
    %scan3A_6 = arith.addi %scan3A_4, %scan3A_5 : i32
    %scan3A_7 = arith.constant 1 : i32
    scf.for %scan3A_17 = %scan3A_4 to %scan3A_6 step %scan3A_7  : i32 {
      %mul3A_18 = arith.constant 16 : i32
      %mul3A_19 = arith.muli %scan3A_17, %mul3A_18 : i32
      %swap3A = arith.index_cast %mul3A_19 : i32 to index
      %swap3A_20 = tpu.vector_load %arg5[%swap3A] {strides = array<i32>} : memref<4096xf32, #tpu.memory_space<vmem>>, vector<16xf32>,
      tpu.vector_store %arg5[%swap3A], %broadcast_in_dim3A_3 {strides = array<i32>} : memref<4096xf32, #tpu.memory_space<vmem>>, vector<16xf32>,
    }
    %scan3A_8 = arith.constant 256 : i32
    %broadcast_in_dim3A_9 = arith.constant 1.000000e+00 : f32
    %broadcast_in_dim3A_10 = vector.broadcast %broadcast_in_dim3A_9 : f32 to vector<16xf32>
    %scan3A_11 = arith.constant 0 : i32
    %scan3A_12 = arith.constant 0 : i32
    %scan3A_13 = arith.constant 256 : i32
    %scan3A_14 = arith.addi %scan3A_12, %scan3A_13 : i32
    %scan3A_15 = arith.constant 1 : i32
    scf.for %scan3A_17 = %scan3A_12 to %scan3A_14 step %scan3A_15  : i32 {
      %mul3A_18 = arith.constant 8 : i32
      %mul3A_19 = arith.muli %scan3A_17, %mul3A_18 : i32
      %add3A_20 = arith.constant 0 : i32
      %add3A_21 = arith.addi %mul3A_19, %add3A_20 : i32
      %mul3A_22 = arith.constant 16 : i32
      %mul3A_23 = arith.muli %add3A_21, %mul3A_22 : i32
      %get3A = arith.index_cast %mul3A_23 : i32 to index
      %get3A_24 = tpu.vector_load %arg4[%get3A] {strides = array<i32>} : memref<32768xi32, #tpu.memory_space<vmem>>, vector<16xi32>,
      %ge3A = arith.constant 0 : i32
      %ge3A_25 = vector.broadcast %ge3A : i32 to vector<16xi32>
      %ge3A_26 = arith.cmpi sge, %get3A_24, %ge3A_25 : vector<16xi32>
      %max3A = arith.constant 0 : i32
      %max3A_27 = vector.broadcast %max3A : i32 to vector<16xi32>
      %max3A_28 = arith.maxsi %get3A_24, %max3A_27 : vector<16xi32>
      tpu.vector_store_idx %arg5[%max3A_28], %broadcast_in_dim3A_10 masked %ge3A_26 {add = true} : memref<4096xf32, #tpu.memory_space<vmem>>[vector<16xi32>], vector<16xf32>, vector<16xi1>
      %mul3A_29 = arith.constant 8 : i32
      %mul3A_30 = arith.muli %scan3A_17, %mul3A_29 : i32
      %add3A_31 = arith.constant 1 : i32
      %add3A_32 = arith.addi %mul3A_30, %add3A_31 : i32
      %mul3A_33 = arith.constant 16 : i32
      %mul3A_34 = arith.muli %add3A_32, %mul3A_33 : i32
      %get3A_35 = arith.index_cast %mul3A_34 : i32 to index
      %get3A_36 = tpu.vector_load %arg4[%get3A_35] {strides = array<i32>} : memref<32768xi32, #tpu.memory_space<vmem>>, vector<16xi32>,
      %ge3A_37 = arith.constant 0 : i32
      %ge3A_38 = vector.broadcast %ge3A_37 : i32 to vector<16xi32>
      %ge3A_39 = arith.cmpi sge, %get3A_36, %ge3A_38 : vector<16xi32>
      %max3A_40 = arith.constant 0 : i32
      %max3A_41 = vector.broadcast %max3A_40 : i32 to vector<16xi32>
      %max3A_42 = arith.maxsi %get3A_36, %max3A_41 : vector<16xi32>
      tpu.vector_store_idx %arg5[%max3A_42], %broadcast_in_dim3A_10 masked %ge3A_39 {add = true} : memref<4096xf32, #tpu.memory_space<vmem>>[vector<16xi32>], vector<16xf32>, vector<16xi1>
      %mul3A_43 = arith.constant 8 : i32
      %mul3A_44 = arith.muli %scan3A_17, %mul3A_43 : i32
      %add3A_45 = arith.constant 2 : i32
      %add3A_46 = arith.addi %mul3A_44, %add3A_45 : i32
      %mul3A_47 = arith.constant 16 : i32
      %mul3A_48 = arith.muli %add3A_46, %mul3A_47 : i32
      %get3A_49 = arith.index_cast %mul3A_48 : i32 to index
      %get3A_50 = tpu.vector_load %arg4[%get3A_49] {strides = array<i32>} : memref<32768xi32, #tpu.memory_space<vmem>>, vector<16xi32>,
      %ge3A_51 = arith.constant 0 : i32
      %ge3A_52 = vector.broadcast %ge3A_51 : i32 to vector<16xi32>
      %ge3A_53 = arith.cmpi sge, %get3A_50, %ge3A_52 : vector<16xi32>
      %max3A_54 = arith.constant 0 : i32
      %max3A_55 = vector.broadcast %max3A_54 : i32 to vector<16xi32>
      %max3A_56 = arith.maxsi %get3A_50, %max3A_55 : vector<16xi32>
      tpu.vector_store_idx %arg5[%max3A_56], %broadcast_in_dim3A_10 masked %ge3A_53 {add = true} : memref<4096xf32, #tpu.memory_space<vmem>>[vector<16xi32>], vector<16xf32>, vector<16xi1>
      %mul3A_57 = arith.constant 8 : i32
      %mul3A_58 = arith.muli %scan3A_17, %mul3A_57 : i32
      %add3A_59 = arith.constant 3 : i32
      %add3A_60 = arith.addi %mul3A_58, %add3A_59 : i32
      %mul3A_61 = arith.constant 16 : i32
      %mul3A_62 = arith.muli %add3A_60, %mul3A_61 : i32
      %get3A_63 = arith.index_cast %mul3A_62 : i32 to index
      %get3A_64 = tpu.vector_load %arg4[%get3A_63] {strides = array<i32>} : memref<32768xi32, #tpu.memory_space<vmem>>, vector<16xi32>,
      %ge3A_65 = arith.constant 0 : i32
      %ge3A_66 = vector.broadcast %ge3A_65 : i32 to vector<16xi32>
      %ge3A_67 = arith.cmpi sge, %get3A_64, %ge3A_66 : vector<16xi32>
      %max3A_68 = arith.constant 0 : i32
      %max3A_69 = vector.broadcast %max3A_68 : i32 to vector<16xi32>
      %max3A_70 = arith.maxsi %get3A_64, %max3A_69 : vector<16xi32>
      tpu.vector_store_idx %arg5[%max3A_70], %broadcast_in_dim3A_10 masked %ge3A_67 {add = true} : memref<4096xf32, #tpu.memory_space<vmem>>[vector<16xi32>], vector<16xf32>, vector<16xi1>
      %mul3A_71 = arith.constant 8 : i32
      %mul3A_72 = arith.muli %scan3A_17, %mul3A_71 : i32
      %add3A_73 = arith.constant 4 : i32
      %add3A_74 = arith.addi %mul3A_72, %add3A_73 : i32
      %mul3A_75 = arith.constant 16 : i32
      %mul3A_76 = arith.muli %add3A_74, %mul3A_75 : i32
      %get3A_77 = arith.index_cast %mul3A_76 : i32 to index
      %get3A_78 = tpu.vector_load %arg4[%get3A_77] {strides = array<i32>} : memref<32768xi32, #tpu.memory_space<vmem>>, vector<16xi32>,
      %ge3A_79 = arith.constant 0 : i32
      %ge3A_80 = vector.broadcast %ge3A_79 : i32 to vector<16xi32>
      %ge3A_81 = arith.cmpi sge, %get3A_78, %ge3A_80 : vector<16xi32>
      %max3A_82 = arith.constant 0 : i32
      %max3A_83 = vector.broadcast %max3A_82 : i32 to vector<16xi32>
      %max3A_84 = arith.maxsi %get3A_78, %max3A_83 : vector<16xi32>
      tpu.vector_store_idx %arg5[%max3A_84], %broadcast_in_dim3A_10 masked %ge3A_81 {add = true} : memref<4096xf32, #tpu.memory_space<vmem>>[vector<16xi32>], vector<16xf32>, vector<16xi1>
      %mul3A_85 = arith.constant 8 : i32
      %mul3A_86 = arith.muli %scan3A_17, %mul3A_85 : i32
      %add3A_87 = arith.constant 5 : i32
      %add3A_88 = arith.addi %mul3A_86, %add3A_87 : i32
      %mul3A_89 = arith.constant 16 : i32
      %mul3A_90 = arith.muli %add3A_88, %mul3A_89 : i32
      %get3A_91 = arith.index_cast %mul3A_90 : i32 to index
      %get3A_92 = tpu.vector_load %arg4[%get3A_91] {strides = array<i32>} : memref<32768xi32, #tpu.memory_space<vmem>>, vector<16xi32>,
      %ge3A_93 = arith.constant 0 : i32
      %ge3A_94 = vector.broadcast %ge3A_93 : i32 to vector<16xi32>
      %ge3A_95 = arith.cmpi sge, %get3A_92, %ge3A_94 : vector<16xi32>
      %max3A_96 = arith.constant 0 : i32
      %max3A_97 = vector.broadcast %max3A_96 : i32 to vector<16xi32>
      %max3A_98 = arith.maxsi %get3A_92, %max3A_97 : vector<16xi32>
      tpu.vector_store_idx %arg5[%max3A_98], %broadcast_in_dim3A_10 masked %ge3A_95 {add = true} : memref<4096xf32, #tpu.memory_space<vmem>>[vector<16xi32>], vector<16xf32>, vector<16xi1>
      %mul3A_99 = arith.constant 8 : i32
      %mul3A_100 = arith.muli %scan3A_17, %mul3A_99 : i32
      %add3A_101 = arith.constant 6 : i32
      %add3A_102 = arith.addi %mul3A_100, %add3A_101 : i32
      %mul3A_103 = arith.constant 16 : i32
      %mul3A_104 = arith.muli %add3A_102, %mul3A_103 : i32
      %get3A_105 = arith.index_cast %mul3A_104 : i32 to index
      %get3A_106 = tpu.vector_load %arg4[%get3A_105] {strides = array<i32>} : memref<32768xi32, #tpu.memory_space<vmem>>, vector<16xi32>,
      %ge3A_107 = arith.constant 0 : i32
      %ge3A_108 = vector.broadcast %ge3A_107 : i32 to vector<16xi32>
      %ge3A_109 = arith.cmpi sge, %get3A_106, %ge3A_108 : vector<16xi32>
      %max3A_110 = arith.constant 0 : i32
      %max3A_111 = vector.broadcast %max3A_110 : i32 to vector<16xi32>
      %max3A_112 = arith.maxsi %get3A_106, %max3A_111 : vector<16xi32>
      tpu.vector_store_idx %arg5[%max3A_112], %broadcast_in_dim3A_10 masked %ge3A_109 {add = true} : memref<4096xf32, #tpu.memory_space<vmem>>[vector<16xi32>], vector<16xf32>, vector<16xi1>
      %mul3A_113 = arith.constant 8 : i32
      %mul3A_114 = arith.muli %scan3A_17, %mul3A_113 : i32
      %add3A_115 = arith.constant 7 : i32
      %add3A_116 = arith.addi %mul3A_114, %add3A_115 : i32
      %mul3A_117 = arith.constant 16 : i32
      %mul3A_118 = arith.muli %add3A_116, %mul3A_117 : i32
      %get3A_119 = arith.index_cast %mul3A_118 : i32 to index
      %get3A_120 = tpu.vector_load %arg4[%get3A_119] {strides = array<i32>} : memref<32768xi32, #tpu.memory_space<vmem>>, vector<16xi32>,
      %ge3A_121 = arith.constant 0 : i32
      %ge3A_122 = vector.broadcast %ge3A_121 : i32 to vector<16xi32>
      %ge3A_123 = arith.cmpi sge, %get3A_120, %ge3A_122 : vector<16xi32>
      %max3A_124 = arith.constant 0 : i32
      %max3A_125 = vector.broadcast %max3A_124 : i32 to vector<16xi32>
      %max3A_126 = arith.maxsi %get3A_120, %max3A_125 : vector<16xi32>
      tpu.vector_store_idx %arg5[%max3A_126], %broadcast_in_dim3A_10 masked %ge3A_123 {add = true} : memref<4096xf32, #tpu.memory_space<vmem>>[vector<16xi32>], vector<16xf32>, vector<16xi1>
    }
    %scan3A_16 = arith.constant 256 : i32
    "tpu.region"() ({
      %run_scoped3A = tpu.sem_alloc : memref<!tpu.dma_semaphore, #tpu.memory_space<semaphore_mem>>
      %dma_start3A = arith.constant 0 : i32
      %dma_start3A_17 = tpu.memref_slice %arg3[%add3A, %dma_start3A] : memref<32x4096xf32, #tpu.memory_space<hbm>> -> memref<1x4096xf32, #tpu.memory_space<hbm>>
      %dma_start3A_18 = tpu.memref_squeeze %dma_start3A_17 : memref<1x4096xf32, #tpu.memory_space<hbm>> -> memref<4096xf32, #tpu.memory_space<hbm>>
      %dma_start3A_19 = arith.constant 0 : i32
      %dma_start3A_20 = tpu.memref_slice %arg3[%add3A, %dma_start3A_19] : memref<32x4096xf32, #tpu.memory_space<hbm>> -> memref<1x4096xf32, #tpu.memory_space<hbm>>
      %dma_start3A_21 = tpu.memref_squeeze %dma_start3A_20 : memref<1x4096xf32, #tpu.memory_space<hbm>> -> memref<4096xf32, #tpu.memory_space<hbm>>
      tpu.enqueue_dma source(%arg5 : memref<4096xf32, #tpu.memory_space<vmem>>) target(%dma_start3A_21 : memref<4096xf32, #tpu.memory_space<hbm>>) target_semaphore(%run_scoped3A : memref<!tpu.dma_semaphore, #tpu.memory_space<semaphore_mem>>)
      %dma_wait3A = arith.constant 0 : i32
      %dma_wait3A_22 = tpu.memref_slice %arg3[%add3A, %dma_wait3A] : memref<32x4096xf32, #tpu.memory_space<hbm>> -> memref<1x4096xf32, #tpu.memory_space<hbm>>
      %dma_wait3A_23 = tpu.memref_squeeze %dma_wait3A_22 : memref<1x4096xf32, #tpu.memory_space<hbm>> -> memref<4096xf32, #tpu.memory_space<hbm>>
      %dma_wait3A_24 = arith.constant 0 : i32
      %dma_wait3A_25 = tpu.memref_slice %arg3[%add3A, %dma_wait3A_24] : memref<32x4096xf32, #tpu.memory_space<hbm>> -> memref<1x4096xf32, #tpu.memory_space<hbm>>
      %dma_wait3A_26 = tpu.memref_squeeze %dma_wait3A_25 : memref<1x4096xf32, #tpu.memory_space<hbm>> -> memref<4096xf32, #tpu.memory_space<hbm>>
      tpu.wait_dma2 semaphore(%run_scoped3A : memref<!tpu.dma_semaphore, #tpu.memory_space<semaphore_mem>>) src(%arg5 : memref<4096xf32, #tpu.memory_space<vmem>>) dst(%dma_wait3A_26 : memref<4096xf32, #tpu.memory_space<hbm>>)
      tpu.yield
    }) : () -> ()
    return
  }
}

module attributes {stable_mosaic.version = 14 : i64} {
  func.func @_loss_stats_body(%arg0: i32, %arg1: i32, %arg2: memref<1x19x128x512xf32, #tpu.memory_space<vmem>>, %arg3: memref<1x2x128x512xf32, #tpu.memory_space<vmem>>, %arg4: memref<1x128x512xi32, #tpu.memory_space<vmem>>, %arg5: memref<1x128x512xi32, #tpu.memory_space<vmem>>, %arg6: memref<1x128x512xi32, #tpu.memory_space<vmem>>, %arg7: memref<16x512xf32, #tpu.memory_space<vmem>>) attributes {dimension_semantics = [#tpu.dimension_semantics<arbitrary>, #tpu.dimension_semantics<arbitrary>], iteration_bounds = array<i64: 4, 4>, scalar_prefetch = 0 : i64, scratch_operands = 0 : i64, tpu.core_type = #tpu.core_type<tc>, window_params = [{transform_indices = @transform_0, window_bounds = array<i64: 1, 19, 128, 512>}, {transform_indices = @transform_1, window_bounds = array<i64: 1, 2, 128, 512>}, {transform_indices = @transform_2, window_bounds = array<i64: 1, 128, 512>}, {transform_indices = @transform_3, window_bounds = array<i64: 1, 128, 512>}, {transform_indices = @transform_4, window_bounds = array<i64: 1, 128, 512>}, {pipeline_mode = #tpu.pipeline_mode<synchronous>, transform_indices = @transform_5, window_bounds = array<i64: 16, 512>}]} {
    %get3A = arith.constant 0 : index
    %get3A_0 = arith.constant 0 : index
    %get3A_1 = arith.constant 0 : index
    %get3A_2 = vector.load %arg4[%get3A, %get3A_0, %get3A_1] : memref<1x128x512xi32, #tpu.memory_space<vmem>>, vector<1x128x512xi32>
    %get3A_3 = vector.shape_cast %get3A_2 : vector<1x128x512xi32> to vector<128x512xi32>
    %get3A_4 = arith.constant 0 : index
    %get3A_5 = arith.constant 0 : index
    %get3A_6 = arith.constant 0 : index
    %get3A_7 = vector.load %arg5[%get3A_4, %get3A_5, %get3A_6] : memref<1x128x512xi32, #tpu.memory_space<vmem>>, vector<1x128x512xi32>
    %get3A_8 = vector.shape_cast %get3A_7 : vector<1x128x512xi32> to vector<128x512xi32>
    %get3A_9 = arith.constant 0 : index
    %get3A_10 = arith.constant 0 : index
    %get3A_11 = arith.constant 0 : index
    %get3A_12 = arith.constant 0 : index
    %get3A_13 = vector.load %arg2[%get3A_9, %get3A_10, %get3A_11, %get3A_12] : memref<1x19x128x512xf32, #tpu.memory_space<vmem>>, vector<1x1x128x512xf32>
    %get3A_14 = vector.shape_cast %get3A_13 : vector<1x1x128x512xf32> to vector<128x512xf32>
    %eq3A = arith.constant 0 : i32
    %eq3A_15 = vector.broadcast %eq3A : i32 to vector<128x512xi32>
    %eq3A_16 = arith.cmpi eq, %get3A_3, %eq3A_15 : vector<128x512xi32>
    %jit3A = arith.constant 0.000000e+00 : f32
    %broadcast_in_dim3A = vector.broadcast %jit3A : f32 to vector<128x512xf32>
    %select_n3A = arith.select %eq3A_16, %get3A_14, %broadcast_in_dim3A : vector<128x512xi1>, vector<128x512xf32>
    %get3A_17 = arith.constant 0 : index
    %get3A_18 = arith.constant 1 : index
    %get3A_19 = arith.constant 0 : index
    %get3A_20 = arith.constant 0 : index
    %get3A_21 = vector.load %arg2[%get3A_17, %get3A_18, %get3A_19, %get3A_20] : memref<1x19x128x512xf32, #tpu.memory_space<vmem>>, vector<1x1x128x512xf32>
    %get3A_22 = vector.shape_cast %get3A_21 : vector<1x1x128x512xf32> to vector<128x512xf32>
    %max3A = arith.maximumf %get3A_14, %get3A_22 : vector<128x512xf32>
    %eq3A_23 = arith.constant 1 : i32
    %eq3A_24 = vector.broadcast %eq3A_23 : i32 to vector<128x512xi32>
    %eq3A_25 = arith.cmpi eq, %get3A_3, %eq3A_24 : vector<128x512xi32>
    %select_n3A_26 = arith.select %eq3A_25, %get3A_22, %select_n3A : vector<128x512xi1>, vector<128x512xf32>
    %get3A_27 = arith.constant 0 : index
    %get3A_28 = arith.constant 2 : index
    %get3A_29 = arith.constant 0 : index
    %get3A_30 = arith.constant 0 : index
    %get3A_31 = vector.load %arg2[%get3A_27, %get3A_28, %get3A_29, %get3A_30] : memref<1x19x128x512xf32, #tpu.memory_space<vmem>>, vector<1x1x128x512xf32>
    %get3A_32 = vector.shape_cast %get3A_31 : vector<1x1x128x512xf32> to vector<128x512xf32>
    %max3A_33 = arith.maximumf %max3A, %get3A_32 : vector<128x512xf32>
    %eq3A_34 = arith.constant 2 : i32
    %eq3A_35 = vector.broadcast %eq3A_34 : i32 to vector<128x512xi32>
    %eq3A_36 = arith.cmpi eq, %get3A_3, %eq3A_35 : vector<128x512xi32>
    %select_n3A_37 = arith.select %eq3A_36, %get3A_32, %select_n3A_26 : vector<128x512xi1>, vector<128x512xf32>
    %get3A_38 = arith.constant 0 : index
    %get3A_39 = arith.constant 3 : index
    %get3A_40 = arith.constant 0 : index
    %get3A_41 = arith.constant 0 : index
    %get3A_42 = vector.load %arg2[%get3A_38, %get3A_39, %get3A_40, %get3A_41] : memref<1x19x128x512xf32, #tpu.memory_space<vmem>>, vector<1x1x128x512xf32>
    %get3A_43 = vector.shape_cast %get3A_42 : vector<1x1x128x512xf32> to vector<128x512xf32>
    %max3A_44 = arith.maximumf %max3A_33, %get3A_43 : vector<128x512xf32>
    %eq3A_45 = arith.constant 3 : i32
    %eq3A_46 = vector.broadcast %eq3A_45 : i32 to vector<128x512xi32>
    %eq3A_47 = arith.cmpi eq, %get3A_3, %eq3A_46 : vector<128x512xi32>
    %select_n3A_48 = arith.select %eq3A_47, %get3A_43, %select_n3A_37 : vector<128x512xi1>, vector<128x512xf32>
    %get3A_49 = arith.constant 0 : index
    %get3A_50 = arith.constant 4 : index
    %get3A_51 = arith.constant 0 : index
    %get3A_52 = arith.constant 0 : index
    %get3A_53 = vector.load %arg2[%get3A_49, %get3A_50, %get3A_51, %get3A_52] : memref<1x19x128x512xf32, #tpu.memory_space<vmem>>, vector<1x1x128x512xf32>
    %get3A_54 = vector.shape_cast %get3A_53 : vector<1x1x128x512xf32> to vector<128x512xf32>
    %max3A_55 = arith.maximumf %max3A_44, %get3A_54 : vector<128x512xf32>
    %eq3A_56 = arith.constant 4 : i32
    %eq3A_57 = vector.broadcast %eq3A_56 : i32 to vector<128x512xi32>
    %eq3A_58 = arith.cmpi eq, %get3A_3, %eq3A_57 : vector<128x512xi32>
    %select_n3A_59 = arith.select %eq3A_58, %get3A_54, %select_n3A_48 : vector<128x512xi1>, vector<128x512xf32>
    %get3A_60 = arith.constant 0 : index
    %get3A_61 = arith.constant 5 : index
    %get3A_62 = arith.constant 0 : index
    %get3A_63 = arith.constant 0 : index
    %get3A_64 = vector.load %arg2[%get3A_60, %get3A_61, %get3A_62, %get3A_63] : memref<1x19x128x512xf32, #tpu.memory_space<vmem>>, vector<1x1x128x512xf32>
    %get3A_65 = vector.shape_cast %get3A_64 : vector<1x1x128x512xf32> to vector<128x512xf32>
    %max3A_66 = arith.maximumf %max3A_55, %get3A_65 : vector<128x512xf32>
    %eq3A_67 = arith.constant 5 : i32
    %eq3A_68 = vector.broadcast %eq3A_67 : i32 to vector<128x512xi32>
    %eq3A_69 = arith.cmpi eq, %get3A_3, %eq3A_68 : vector<128x512xi32>
    %select_n3A_70 = arith.select %eq3A_69, %get3A_65, %select_n3A_59 : vector<128x512xi1>, vector<128x512xf32>
    %get3A_71 = arith.constant 0 : index
    %get3A_72 = arith.constant 6 : index
    %get3A_73 = arith.constant 0 : index
    %get3A_74 = arith.constant 0 : index
    %get3A_75 = vector.load %arg2[%get3A_71, %get3A_72, %get3A_73, %get3A_74] : memref<1x19x128x512xf32, #tpu.memory_space<vmem>>, vector<1x1x128x512xf32>
    %get3A_76 = vector.shape_cast %get3A_75 : vector<1x1x128x512xf32> to vector<128x512xf32>
    %max3A_77 = arith.maximumf %max3A_66, %get3A_76 : vector<128x512xf32>
    %eq3A_78 = arith.constant 6 : i32
    %eq3A_79 = vector.broadcast %eq3A_78 : i32 to vector<128x512xi32>
    %eq3A_80 = arith.cmpi eq, %get3A_3, %eq3A_79 : vector<128x512xi32>
    %select_n3A_81 = arith.select %eq3A_80, %get3A_76, %select_n3A_70 : vector<128x512xi1>, vector<128x512xf32>
    %get3A_82 = arith.constant 0 : index
    %get3A_83 = arith.constant 7 : index
    %get3A_84 = arith.constant 0 : index
    %get3A_85 = arith.constant 0 : index
    %get3A_86 = vector.load %arg2[%get3A_82, %get3A_83, %get3A_84, %get3A_85] : memref<1x19x128x512xf32, #tpu.memory_space<vmem>>, vector<1x1x128x512xf32>
    %get3A_87 = vector.shape_cast %get3A_86 : vector<1x1x128x512xf32> to vector<128x512xf32>
    %max3A_88 = arith.maximumf %max3A_77, %get3A_87 : vector<128x512xf32>
    %eq3A_89 = arith.constant 7 : i32
    %eq3A_90 = vector.broadcast %eq3A_89 : i32 to vector<128x512xi32>
    %eq3A_91 = arith.cmpi eq, %get3A_3, %eq3A_90 : vector<128x512xi32>
    %select_n3A_92 = arith.select %eq3A_91, %get3A_87, %select_n3A_81 : vector<128x512xi1>, vector<128x512xf32>
    %get3A_93 = arith.constant 0 : index
    %get3A_94 = arith.constant 8 : index
    %get3A_95 = arith.constant 0 : index
    %get3A_96 = arith.constant 0 : index
    %get3A_97 = vector.load %arg2[%get3A_93, %get3A_94, %get3A_95, %get3A_96] : memref<1x19x128x512xf32, #tpu.memory_space<vmem>>, vector<1x1x128x512xf32>
    %get3A_98 = vector.shape_cast %get3A_97 : vector<1x1x128x512xf32> to vector<128x512xf32>
    %max3A_99 = arith.maximumf %max3A_88, %get3A_98 : vector<128x512xf32>
    %eq3A_100 = arith.constant 8 : i32
    %eq3A_101 = vector.broadcast %eq3A_100 : i32 to vector<128x512xi32>
    %eq3A_102 = arith.cmpi eq, %get3A_3, %eq3A_101 : vector<128x512xi32>
    %select_n3A_103 = arith.select %eq3A_102, %get3A_98, %select_n3A_92 : vector<128x512xi1>, vector<128x512xf32>
    %get3A_104 = arith.constant 0 : index
    %get3A_105 = arith.constant 9 : index
    %get3A_106 = arith.constant 0 : index
    %get3A_107 = arith.constant 0 : index
    %get3A_108 = vector.load %arg2[%get3A_104, %get3A_105, %get3A_106, %get3A_107] : memref<1x19x128x512xf32, #tpu.memory_space<vmem>>, vector<1x1x128x512xf32>
    %get3A_109 = vector.shape_cast %get3A_108 : vector<1x1x128x512xf32> to vector<128x512xf32>
    %max3A_110 = arith.maximumf %max3A_99, %get3A_109 : vector<128x512xf32>
    %eq3A_111 = arith.constant 9 : i32
    %eq3A_112 = vector.broadcast %eq3A_111 : i32 to vector<128x512xi32>
    %eq3A_113 = arith.cmpi eq, %get3A_3, %eq3A_112 : vector<128x512xi32>
    %select_n3A_114 = arith.select %eq3A_113, %get3A_109, %select_n3A_103 : vector<128x512xi1>, vector<128x512xf32>
    %get3A_115 = arith.constant 0 : index
    %get3A_116 = arith.constant 10 : index
    %get3A_117 = arith.constant 0 : index
    %get3A_118 = arith.constant 0 : index
    %get3A_119 = vector.load %arg2[%get3A_115, %get3A_116, %get3A_117, %get3A_118] : memref<1x19x128x512xf32, #tpu.memory_space<vmem>>, vector<1x1x128x512xf32>
    %get3A_120 = vector.shape_cast %get3A_119 : vector<1x1x128x512xf32> to vector<128x512xf32>
    %max3A_121 = arith.maximumf %max3A_110, %get3A_120 : vector<128x512xf32>
    %eq3A_122 = arith.constant 10 : i32
    %eq3A_123 = vector.broadcast %eq3A_122 : i32 to vector<128x512xi32>
    %eq3A_124 = arith.cmpi eq, %get3A_3, %eq3A_123 : vector<128x512xi32>
    %select_n3A_125 = arith.select %eq3A_124, %get3A_120, %select_n3A_114 : vector<128x512xi1>, vector<128x512xf32>
    %get3A_126 = arith.constant 0 : index
    %get3A_127 = arith.constant 11 : index
    %get3A_128 = arith.constant 0 : index
    %get3A_129 = arith.constant 0 : index
    %get3A_130 = vector.load %arg2[%get3A_126, %get3A_127, %get3A_128, %get3A_129] : memref<1x19x128x512xf32, #tpu.memory_space<vmem>>, vector<1x1x128x512xf32>
    %get3A_131 = vector.shape_cast %get3A_130 : vector<1x1x128x512xf32> to vector<128x512xf32>
    %max3A_132 = arith.maximumf %max3A_121, %get3A_131 : vector<128x512xf32>
    %eq3A_133 = arith.constant 11 : i32
    %eq3A_134 = vector.broadcast %eq3A_133 : i32 to vector<128x512xi32>
    %eq3A_135 = arith.cmpi eq, %get3A_3, %eq3A_134 : vector<128x512xi32>
    %select_n3A_136 = arith.select %eq3A_135, %get3A_131, %select_n3A_125 : vector<128x512xi1>, vector<128x512xf32>
    %get3A_137 = arith.constant 0 : index
    %get3A_138 = arith.constant 12 : index
    %get3A_139 = arith.constant 0 : index
    %get3A_140 = arith.constant 0 : index
    %get3A_141 = vector.load %arg2[%get3A_137, %get3A_138, %get3A_139, %get3A_140] : memref<1x19x128x512xf32, #tpu.memory_space<vmem>>, vector<1x1x128x512xf32>
    %get3A_142 = vector.shape_cast %get3A_141 : vector<1x1x128x512xf32> to vector<128x512xf32>
    %max3A_143 = arith.maximumf %max3A_132, %get3A_142 : vector<128x512xf32>
    %eq3A_144 = arith.constant 12 : i32
    %eq3A_145 = vector.broadcast %eq3A_144 : i32 to vector<128x512xi32>
    %eq3A_146 = arith.cmpi eq, %get3A_3, %eq3A_145 : vector<128x512xi32>
    %select_n3A_147 = arith.select %eq3A_146, %get3A_142, %select_n3A_136 : vector<128x512xi1>, vector<128x512xf32>
    %get3A_148 = arith.constant 0 : index
    %get3A_149 = arith.constant 13 : index
    %get3A_150 = arith.constant 0 : index
    %get3A_151 = arith.constant 0 : index
    %get3A_152 = vector.load %arg2[%get3A_148, %get3A_149, %get3A_150, %get3A_151] : memref<1x19x128x512xf32, #tpu.memory_space<vmem>>, vector<1x1x128x512xf32>
    %get3A_153 = vector.shape_cast %get3A_152 : vector<1x1x128x512xf32> to vector<128x512xf32>
    %max3A_154 = arith.maximumf %max3A_143, %get3A_153 : vector<128x512xf32>
    %eq3A_155 = arith.constant 13 : i32
    %eq3A_156 = vector.broadcast %eq3A_155 : i32 to vector<128x512xi32>
    %eq3A_157 = arith.cmpi eq, %get3A_3, %eq3A_156 : vector<128x512xi32>
    %select_n3A_158 = arith.select %eq3A_157, %get3A_153, %select_n3A_147 : vector<128x512xi1>, vector<128x512xf32>
    %get3A_159 = arith.constant 0 : index
    %get3A_160 = arith.constant 14 : index
    %get3A_161 = arith.constant 0 : index
    %get3A_162 = arith.constant 0 : index
    %get3A_163 = vector.load %arg2[%get3A_159, %get3A_160, %get3A_161, %get3A_162] : memref<1x19x128x512xf32, #tpu.memory_space<vmem>>, vector<1x1x128x512xf32>
    %get3A_164 = vector.shape_cast %get3A_163 : vector<1x1x128x512xf32> to vector<128x512xf32>
    %max3A_165 = arith.maximumf %max3A_154, %get3A_164 : vector<128x512xf32>
    %eq3A_166 = arith.constant 14 : i32
    %eq3A_167 = vector.broadcast %eq3A_166 : i32 to vector<128x512xi32>
    %eq3A_168 = arith.cmpi eq, %get3A_3, %eq3A_167 : vector<128x512xi32>
    %select_n3A_169 = arith.select %eq3A_168, %get3A_164, %select_n3A_158 : vector<128x512xi1>, vector<128x512xf32>
    %get3A_170 = arith.constant 0 : index
    %get3A_171 = arith.constant 15 : index
    %get3A_172 = arith.constant 0 : index
    %get3A_173 = arith.constant 0 : index
    %get3A_174 = vector.load %arg2[%get3A_170, %get3A_171, %get3A_172, %get3A_173] : memref<1x19x128x512xf32, #tpu.memory_space<vmem>>, vector<1x1x128x512xf32>
    %get3A_175 = vector.shape_cast %get3A_174 : vector<1x1x128x512xf32> to vector<128x512xf32>
    %max3A_176 = arith.maximumf %max3A_165, %get3A_175 : vector<128x512xf32>
    %eq3A_177 = arith.constant 15 : i32
    %eq3A_178 = vector.broadcast %eq3A_177 : i32 to vector<128x512xi32>
    %eq3A_179 = arith.cmpi eq, %get3A_3, %eq3A_178 : vector<128x512xi32>
    %select_n3A_180 = arith.select %eq3A_179, %get3A_175, %select_n3A_169 : vector<128x512xi1>, vector<128x512xf32>
    %get3A_181 = arith.constant 0 : index
    %get3A_182 = arith.constant 16 : index
    %get3A_183 = arith.constant 0 : index
    %get3A_184 = arith.constant 0 : index
    %get3A_185 = vector.load %arg2[%get3A_181, %get3A_182, %get3A_183, %get3A_184] : memref<1x19x128x512xf32, #tpu.memory_space<vmem>>, vector<1x1x128x512xf32>
    %get3A_186 = vector.shape_cast %get3A_185 : vector<1x1x128x512xf32> to vector<128x512xf32>
    %max3A_187 = arith.maximumf %max3A_176, %get3A_186 : vector<128x512xf32>
    %eq3A_188 = arith.constant 16 : i32
    %eq3A_189 = vector.broadcast %eq3A_188 : i32 to vector<128x512xi32>
    %eq3A_190 = arith.cmpi eq, %get3A_3, %eq3A_189 : vector<128x512xi32>
    %select_n3A_191 = arith.select %eq3A_190, %get3A_186, %select_n3A_180 : vector<128x512xi1>, vector<128x512xf32>
    %get3A_192 = arith.constant 0 : index
    %get3A_193 = arith.constant 17 : index
    %get3A_194 = arith.constant 0 : index
    %get3A_195 = arith.constant 0 : index
    %get3A_196 = vector.load %arg2[%get3A_192, %get3A_193, %get3A_194, %get3A_195] : memref<1x19x128x512xf32, #tpu.memory_space<vmem>>, vector<1x1x128x512xf32>
    %get3A_197 = vector.shape_cast %get3A_196 : vector<1x1x128x512xf32> to vector<128x512xf32>
    %max3A_198 = arith.maximumf %max3A_187, %get3A_197 : vector<128x512xf32>
    %eq3A_199 = arith.constant 17 : i32
    %eq3A_200 = vector.broadcast %eq3A_199 : i32 to vector<128x512xi32>
    %eq3A_201 = arith.cmpi eq, %get3A_3, %eq3A_200 : vector<128x512xi32>
    %select_n3A_202 = arith.select %eq3A_201, %get3A_197, %select_n3A_191 : vector<128x512xi1>, vector<128x512xf32>
    %get3A_203 = arith.constant 0 : index
    %get3A_204 = arith.constant 18 : index
    %get3A_205 = arith.constant 0 : index
    %get3A_206 = arith.constant 0 : index
    %get3A_207 = vector.load %arg2[%get3A_203, %get3A_204, %get3A_205, %get3A_206] : memref<1x19x128x512xf32, #tpu.memory_space<vmem>>, vector<1x1x128x512xf32>
    %get3A_208 = vector.shape_cast %get3A_207 : vector<1x1x128x512xf32> to vector<128x512xf32>
    %max3A_209 = arith.maximumf %max3A_198, %get3A_208 : vector<128x512xf32>
    %eq3A_210 = arith.constant 18 : i32
    %eq3A_211 = vector.broadcast %eq3A_210 : i32 to vector<128x512xi32>
    %eq3A_212 = arith.cmpi eq, %get3A_3, %eq3A_211 : vector<128x512xi32>
    %select_n3A_213 = arith.select %eq3A_212, %get3A_208, %select_n3A_202 : vector<128x512xi1>, vector<128x512xf32>
    %get3A_214 = arith.constant 0 : index
    %get3A_215 = arith.constant 0 : index
    %get3A_216 = arith.constant 0 : index
    %get3A_217 = arith.constant 0 : index
    %get3A_218 = vector.load %arg2[%get3A_214, %get3A_215, %get3A_216, %get3A_217] : memref<1x19x128x512xf32, #tpu.memory_space<vmem>>, vector<1x1x128x512xf32>
    %get3A_219 = vector.shape_cast %get3A_218 : vector<1x1x128x512xf32> to vector<128x512xf32>
    %sub3A = arith.subf %get3A_219, %max3A_209 : vector<128x512xf32>
    %exp3A = math.exp %sub3A : vector<128x512xf32>
    %get3A_220 = arith.constant 0 : index
    %get3A_221 = arith.constant 1 : index
    %get3A_222 = arith.constant 0 : index
    %get3A_223 = arith.constant 0 : index
    %get3A_224 = vector.load %arg2[%get3A_220, %get3A_221, %get3A_222, %get3A_223] : memref<1x19x128x512xf32, #tpu.memory_space<vmem>>, vector<1x1x128x512xf32>
    %get3A_225 = vector.shape_cast %get3A_224 : vector<1x1x128x512xf32> to vector<128x512xf32>
    %sub3A_226 = arith.subf %get3A_225, %max3A_209 : vector<128x512xf32>
    %exp3A_227 = math.exp %sub3A_226 : vector<128x512xf32>
    %add3A = arith.addf %exp3A, %exp3A_227 : vector<128x512xf32>
    %get3A_228 = arith.constant 0 : index
    %get3A_229 = arith.constant 2 : index
    %get3A_230 = arith.constant 0 : index
    %get3A_231 = arith.constant 0 : index
    %get3A_232 = vector.load %arg2[%get3A_228, %get3A_229, %get3A_230, %get3A_231] : memref<1x19x128x512xf32, #tpu.memory_space<vmem>>, vector<1x1x128x512xf32>
    %get3A_233 = vector.shape_cast %get3A_232 : vector<1x1x128x512xf32> to vector<128x512xf32>
    %sub3A_234 = arith.subf %get3A_233, %max3A_209 : vector<128x512xf32>
    %exp3A_235 = math.exp %sub3A_234 : vector<128x512xf32>
    %add3A_236 = arith.addf %add3A, %exp3A_235 : vector<128x512xf32>
    %get3A_237 = arith.constant 0 : index
    %get3A_238 = arith.constant 3 : index
    %get3A_239 = arith.constant 0 : index
    %get3A_240 = arith.constant 0 : index
    %get3A_241 = vector.load %arg2[%get3A_237, %get3A_238, %get3A_239, %get3A_240] : memref<1x19x128x512xf32, #tpu.memory_space<vmem>>, vector<1x1x128x512xf32>
    %get3A_242 = vector.shape_cast %get3A_241 : vector<1x1x128x512xf32> to vector<128x512xf32>
    %sub3A_243 = arith.subf %get3A_242, %max3A_209 : vector<128x512xf32>
    %exp3A_244 = math.exp %sub3A_243 : vector<128x512xf32>
    %add3A_245 = arith.addf %add3A_236, %exp3A_244 : vector<128x512xf32>
    %get3A_246 = arith.constant 0 : index
    %get3A_247 = arith.constant 4 : index
    %get3A_248 = arith.constant 0 : index
    %get3A_249 = arith.constant 0 : index
    %get3A_250 = vector.load %arg2[%get3A_246, %get3A_247, %get3A_248, %get3A_249] : memref<1x19x128x512xf32, #tpu.memory_space<vmem>>, vector<1x1x128x512xf32>
    %get3A_251 = vector.shape_cast %get3A_250 : vector<1x1x128x512xf32> to vector<128x512xf32>
    %sub3A_252 = arith.subf %get3A_251, %max3A_209 : vector<128x512xf32>
    %exp3A_253 = math.exp %sub3A_252 : vector<128x512xf32>
    %add3A_254 = arith.addf %add3A_245, %exp3A_253 : vector<128x512xf32>
    %get3A_255 = arith.constant 0 : index
    %get3A_256 = arith.constant 5 : index
    %get3A_257 = arith.constant 0 : index
    %get3A_258 = arith.constant 0 : index
    %get3A_259 = vector.load %arg2[%get3A_255, %get3A_256, %get3A_257, %get3A_258] : memref<1x19x128x512xf32, #tpu.memory_space<vmem>>, vector<1x1x128x512xf32>
    %get3A_260 = vector.shape_cast %get3A_259 : vector<1x1x128x512xf32> to vector<128x512xf32>
    %sub3A_261 = arith.subf %get3A_260, %max3A_209 : vector<128x512xf32>
    %exp3A_262 = math.exp %sub3A_261 : vector<128x512xf32>
    %add3A_263 = arith.addf %add3A_254, %exp3A_262 : vector<128x512xf32>
    %get3A_264 = arith.constant 0 : index
    %get3A_265 = arith.constant 6 : index
    %get3A_266 = arith.constant 0 : index
    %get3A_267 = arith.constant 0 : index
    %get3A_268 = vector.load %arg2[%get3A_264, %get3A_265, %get3A_266, %get3A_267] : memref<1x19x128x512xf32, #tpu.memory_space<vmem>>, vector<1x1x128x512xf32>
    %get3A_269 = vector.shape_cast %get3A_268 : vector<1x1x128x512xf32> to vector<128x512xf32>
    %sub3A_270 = arith.subf %get3A_269, %max3A_209 : vector<128x512xf32>
    %exp3A_271 = math.exp %sub3A_270 : vector<128x512xf32>
    %add3A_272 = arith.addf %add3A_263, %exp3A_271 : vector<128x512xf32>
    %get3A_273 = arith.constant 0 : index
    %get3A_274 = arith.constant 7 : index
    %get3A_275 = arith.constant 0 : index
    %get3A_276 = arith.constant 0 : index
    %get3A_277 = vector.load %arg2[%get3A_273, %get3A_274, %get3A_275, %get3A_276] : memref<1x19x128x512xf32, #tpu.memory_space<vmem>>, vector<1x1x128x512xf32>
    %get3A_278 = vector.shape_cast %get3A_277 : vector<1x1x128x512xf32> to vector<128x512xf32>
    %sub3A_279 = arith.subf %get3A_278, %max3A_209 : vector<128x512xf32>
    %exp3A_280 = math.exp %sub3A_279 : vector<128x512xf32>
    %add3A_281 = arith.addf %add3A_272, %exp3A_280 : vector<128x512xf32>
    %get3A_282 = arith.constant 0 : index
    %get3A_283 = arith.constant 8 : index
    %get3A_284 = arith.constant 0 : index
    %get3A_285 = arith.constant 0 : index
    %get3A_286 = vector.load %arg2[%get3A_282, %get3A_283, %get3A_284, %get3A_285] : memref<1x19x128x512xf32, #tpu.memory_space<vmem>>, vector<1x1x128x512xf32>
    %get3A_287 = vector.shape_cast %get3A_286 : vector<1x1x128x512xf32> to vector<128x512xf32>
    %sub3A_288 = arith.subf %get3A_287, %max3A_209 : vector<128x512xf32>
    %exp3A_289 = math.exp %sub3A_288 : vector<128x512xf32>
    %add3A_290 = arith.addf %add3A_281, %exp3A_289 : vector<128x512xf32>
    %get3A_291 = arith.constant 0 : index
    %get3A_292 = arith.constant 9 : index
    %get3A_293 = arith.constant 0 : index
    %get3A_294 = arith.constant 0 : index
    %get3A_295 = vector.load %arg2[%get3A_291, %get3A_292, %get3A_293, %get3A_294] : memref<1x19x128x512xf32, #tpu.memory_space<vmem>>, vector<1x1x128x512xf32>
    %get3A_296 = vector.shape_cast %get3A_295 : vector<1x1x128x512xf32> to vector<128x512xf32>
    %sub3A_297 = arith.subf %get3A_296, %max3A_209 : vector<128x512xf32>
    %exp3A_298 = math.exp %sub3A_297 : vector<128x512xf32>
    %add3A_299 = arith.addf %add3A_290, %exp3A_298 : vector<128x512xf32>
    %get3A_300 = arith.constant 0 : index
    %get3A_301 = arith.constant 10 : index
    %get3A_302 = arith.constant 0 : index
    %get3A_303 = arith.constant 0 : index
    %get3A_304 = vector.load %arg2[%get3A_300, %get3A_301, %get3A_302, %get3A_303] : memref<1x19x128x512xf32, #tpu.memory_space<vmem>>, vector<1x1x128x512xf32>
    %get3A_305 = vector.shape_cast %get3A_304 : vector<1x1x128x512xf32> to vector<128x512xf32>
    %sub3A_306 = arith.subf %get3A_305, %max3A_209 : vector<128x512xf32>
    %exp3A_307 = math.exp %sub3A_306 : vector<128x512xf32>
    %add3A_308 = arith.addf %add3A_299, %exp3A_307 : vector<128x512xf32>
    %get3A_309 = arith.constant 0 : index
    %get3A_310 = arith.constant 11 : index
    %get3A_311 = arith.constant 0 : index
    %get3A_312 = arith.constant 0 : index
    %get3A_313 = vector.load %arg2[%get3A_309, %get3A_310, %get3A_311, %get3A_312] : memref<1x19x128x512xf32, #tpu.memory_space<vmem>>, vector<1x1x128x512xf32>
    %get3A_314 = vector.shape_cast %get3A_313 : vector<1x1x128x512xf32> to vector<128x512xf32>
    %sub3A_315 = arith.subf %get3A_314, %max3A_209 : vector<128x512xf32>
    %exp3A_316 = math.exp %sub3A_315 : vector<128x512xf32>
    %add3A_317 = arith.addf %add3A_308, %exp3A_316 : vector<128x512xf32>
    %get3A_318 = arith.constant 0 : index
    %get3A_319 = arith.constant 12 : index
    %get3A_320 = arith.constant 0 : index
    %get3A_321 = arith.constant 0 : index
    %get3A_322 = vector.load %arg2[%get3A_318, %get3A_319, %get3A_320, %get3A_321] : memref<1x19x128x512xf32, #tpu.memory_space<vmem>>, vector<1x1x128x512xf32>
    %get3A_323 = vector.shape_cast %get3A_322 : vector<1x1x128x512xf32> to vector<128x512xf32>
    %sub3A_324 = arith.subf %get3A_323, %max3A_209 : vector<128x512xf32>
    %exp3A_325 = math.exp %sub3A_324 : vector<128x512xf32>
    %add3A_326 = arith.addf %add3A_317, %exp3A_325 : vector<128x512xf32>
    %get3A_327 = arith.constant 0 : index
    %get3A_328 = arith.constant 13 : index
    %get3A_329 = arith.constant 0 : index
    %get3A_330 = arith.constant 0 : index
    %get3A_331 = vector.load %arg2[%get3A_327, %get3A_328, %get3A_329, %get3A_330] : memref<1x19x128x512xf32, #tpu.memory_space<vmem>>, vector<1x1x128x512xf32>
    %get3A_332 = vector.shape_cast %get3A_331 : vector<1x1x128x512xf32> to vector<128x512xf32>
    %sub3A_333 = arith.subf %get3A_332, %max3A_209 : vector<128x512xf32>
    %exp3A_334 = math.exp %sub3A_333 : vector<128x512xf32>
    %add3A_335 = arith.addf %add3A_326, %exp3A_334 : vector<128x512xf32>
    %get3A_336 = arith.constant 0 : index
    %get3A_337 = arith.constant 14 : index
    %get3A_338 = arith.constant 0 : index
    %get3A_339 = arith.constant 0 : index
    %get3A_340 = vector.load %arg2[%get3A_336, %get3A_337, %get3A_338, %get3A_339] : memref<1x19x128x512xf32, #tpu.memory_space<vmem>>, vector<1x1x128x512xf32>
    %get3A_341 = vector.shape_cast %get3A_340 : vector<1x1x128x512xf32> to vector<128x512xf32>
    %sub3A_342 = arith.subf %get3A_341, %max3A_209 : vector<128x512xf32>
    %exp3A_343 = math.exp %sub3A_342 : vector<128x512xf32>
    %add3A_344 = arith.addf %add3A_335, %exp3A_343 : vector<128x512xf32>
    %get3A_345 = arith.constant 0 : index
    %get3A_346 = arith.constant 15 : index
    %get3A_347 = arith.constant 0 : index
    %get3A_348 = arith.constant 0 : index
    %get3A_349 = vector.load %arg2[%get3A_345, %get3A_346, %get3A_347, %get3A_348] : memref<1x19x128x512xf32, #tpu.memory_space<vmem>>, vector<1x1x128x512xf32>
    %get3A_350 = vector.shape_cast %get3A_349 : vector<1x1x128x512xf32> to vector<128x512xf32>
    %sub3A_351 = arith.subf %get3A_350, %max3A_209 : vector<128x512xf32>
    %exp3A_352 = math.exp %sub3A_351 : vector<128x512xf32>
    %add3A_353 = arith.addf %add3A_344, %exp3A_352 : vector<128x512xf32>
    %get3A_354 = arith.constant 0 : index
    %get3A_355 = arith.constant 16 : index
    %get3A_356 = arith.constant 0 : index
    %get3A_357 = arith.constant 0 : index
    %get3A_358 = vector.load %arg2[%get3A_354, %get3A_355, %get3A_356, %get3A_357] : memref<1x19x128x512xf32, #tpu.memory_space<vmem>>, vector<1x1x128x512xf32>
    %get3A_359 = vector.shape_cast %get3A_358 : vector<1x1x128x512xf32> to vector<128x512xf32>
    %sub3A_360 = arith.subf %get3A_359, %max3A_209 : vector<128x512xf32>
    %exp3A_361 = math.exp %sub3A_360 : vector<128x512xf32>
    %add3A_362 = arith.addf %add3A_353, %exp3A_361 : vector<128x512xf32>
    %get3A_363 = arith.constant 0 : index
    %get3A_364 = arith.constant 17 : index
    %get3A_365 = arith.constant 0 : index
    %get3A_366 = arith.constant 0 : index
    %get3A_367 = vector.load %arg2[%get3A_363, %get3A_364, %get3A_365, %get3A_366] : memref<1x19x128x512xf32, #tpu.memory_space<vmem>>, vector<1x1x128x512xf32>
    %get3A_368 = vector.shape_cast %get3A_367 : vector<1x1x128x512xf32> to vector<128x512xf32>
    %sub3A_369 = arith.subf %get3A_368, %max3A_209 : vector<128x512xf32>
    %exp3A_370 = math.exp %sub3A_369 : vector<128x512xf32>
    %add3A_371 = arith.addf %add3A_362, %exp3A_370 : vector<128x512xf32>
    %get3A_372 = arith.constant 0 : index
    %get3A_373 = arith.constant 18 : index
    %get3A_374 = arith.constant 0 : index
    %get3A_375 = arith.constant 0 : index
    %get3A_376 = vector.load %arg2[%get3A_372, %get3A_373, %get3A_374, %get3A_375] : memref<1x19x128x512xf32, #tpu.memory_space<vmem>>, vector<1x1x128x512xf32>
    %get3A_377 = vector.shape_cast %get3A_376 : vector<1x1x128x512xf32> to vector<128x512xf32>
    %sub3A_378 = arith.subf %get3A_377, %max3A_209 : vector<128x512xf32>
    %exp3A_379 = math.exp %sub3A_378 : vector<128x512xf32>
    %add3A_380 = arith.addf %add3A_371, %exp3A_379 : vector<128x512xf32>
    %ne3A = arith.constant 255 : i32
    %ne3A_381 = vector.broadcast %ne3A : i32 to vector<128x512xi32>
    %ne3A_382 = arith.cmpi ne, %get3A_3, %ne3A_381 : vector<128x512xi32>
    %convert_element_type3A = arith.extui %ne3A_382 : vector<128x512xi1> to vector<128x512xi32>
    %convert_element_type3A_383 = arith.sitofp %convert_element_type3A : vector<128x512xi32> to vector<128x512xf32>
    %log3A = math.log %add3A_380 : vector<128x512xf32>
    %add3A_384 = arith.addf %log3A, %max3A_209 : vector<128x512xf32>
    %sub3A_385 = arith.subf %add3A_384, %select_n3A_213 : vector<128x512xf32>
    %mul3A = arith.mulf %sub3A_385, %convert_element_type3A_383 : vector<128x512xf32>
    %get3A_386 = arith.constant 0 : index
    %get3A_387 = arith.constant 0 : index
    %get3A_388 = arith.constant 0 : index
    %get3A_389 = arith.constant 0 : index
    %get3A_390 = vector.load %arg3[%get3A_386, %get3A_387, %get3A_388, %get3A_389] : memref<1x2x128x512xf32, #tpu.memory_space<vmem>>, vector<1x1x128x512xf32>
    %get3A_391 = vector.shape_cast %get3A_390 : vector<1x1x128x512xf32> to vector<128x512xf32>
    %get3A_392 = arith.constant 0 : index
    %get3A_393 = arith.constant 1 : index
    %get3A_394 = arith.constant 0 : index
    %get3A_395 = arith.constant 0 : index
    %get3A_396 = vector.load %arg3[%get3A_392, %get3A_393, %get3A_394, %get3A_395] : memref<1x2x128x512xf32, #tpu.memory_space<vmem>>, vector<1x1x128x512xf32>
    %get3A_397 = vector.shape_cast %get3A_396 : vector<1x1x128x512xf32> to vector<128x512xf32>
    %max3A_398 = arith.maximumf %get3A_391, %get3A_397 : vector<128x512xf32>
    %eq3A_399 = arith.constant 1 : i32
    %eq3A_400 = vector.broadcast %eq3A_399 : i32 to vector<128x512xi32>
    %eq3A_401 = arith.cmpi eq, %get3A_8, %eq3A_400 : vector<128x512xi32>
    %eq3A_402 = arith.constant 0 : i32
    %eq3A_403 = vector.broadcast %eq3A_402 : i32 to vector<128x512xi32>
    %eq3A_404 = arith.cmpi eq, %get3A_8, %eq3A_403 : vector<128x512xi32>
    %jit3A_405 = arith.constant 0.000000e+00 : f32
    %broadcast_in_dim3A_406 = vector.broadcast %jit3A_405 : f32 to vector<128x512xf32>
    %select_n3A_407 = arith.select %eq3A_404, %get3A_391, %broadcast_in_dim3A_406 : vector<128x512xi1>, vector<128x512xf32>
    %select_n3A_408 = arith.select %eq3A_401, %get3A_397, %select_n3A_407 : vector<128x512xi1>, vector<128x512xf32>
    %sub3A_409 = arith.subf %get3A_391, %max3A_398 : vector<128x512xf32>
    %exp3A_410 = math.exp %sub3A_409 : vector<128x512xf32>
    %sub3A_411 = arith.subf %get3A_397, %max3A_398 : vector<128x512xf32>
    %exp3A_412 = math.exp %sub3A_411 : vector<128x512xf32>
    %add3A_413 = arith.addf %exp3A_410, %exp3A_412 : vector<128x512xf32>
    %ne3A_414 = arith.constant 255 : i32
    %ne3A_415 = vector.broadcast %ne3A_414 : i32 to vector<128x512xi32>
    %ne3A_416 = arith.cmpi ne, %get3A_8, %ne3A_415 : vector<128x512xi32>
    %convert_element_type3A_417 = arith.extui %ne3A_416 : vector<128x512xi1> to vector<128x512xi32>
    %convert_element_type3A_418 = arith.sitofp %convert_element_type3A_417 : vector<128x512xi32> to vector<128x512xf32>
    %log3A_419 = math.log %add3A_413 : vector<128x512xf32>
    %add3A_420 = arith.addf %log3A_419, %max3A_398 : vector<128x512xf32>
    %sub3A_421 = arith.subf %add3A_420, %select_n3A_408 : vector<128x512xf32>
    %mul3A_422 = arith.mulf %sub3A_421, %convert_element_type3A_418 : vector<128x512xf32>
    %sub3A_423 = arith.subf %max3A_209, %max3A_398 : vector<128x512xf32>
    %integer_pow3A = arith.mulf %sub3A_423, %sub3A_423 : vector<128x512xf32>
    %add3A_424 = arith.addf %mul3A_422, %integer_pow3A : vector<128x512xf32>
    %add3A_425 = arith.addf %add3A_424, %mul3A : vector<128x512xf32>
    %mul3A_426 = arith.constant 8.192000e+02 : f32
    %mul3A_427 = vector.broadcast %mul3A_426 : f32 to vector<128x512xf32>
    %mul3A_428 = arith.mulf %add3A_425, %mul3A_427 : vector<128x512xf32>
    %convert_element_type3A_429 = arith.fptosi %mul3A_428 : vector<128x512xf32> to vector<128x512xi32>
    %min3A = arith.constant 2047 : i32
    %min3A_430 = vector.broadcast %min3A : i32 to vector<128x512xi32>
    %min3A_431 = arith.minsi %convert_element_type3A_429, %min3A_430 : vector<128x512xi32>
    %eq3A_432 = arith.constant 1 : i32
    %eq3A_433 = vector.broadcast %eq3A_432 : i32 to vector<128x512xi32>
    %eq3A_434 = arith.cmpi eq, %get3A_8, %eq3A_433 : vector<128x512xi32>
    %jit3A_435 = arith.constant 2048 : i32
    %jit3A_436 = arith.constant 0 : i32
    %broadcast_in_dim3A_437 = vector.broadcast %jit3A_435 : i32 to vector<128x512xi32>
    %broadcast_in_dim3A_438 = vector.broadcast %jit3A_436 : i32 to vector<128x512xi32>
    %select_n3A_439 = arith.select %eq3A_434, %broadcast_in_dim3A_437, %broadcast_in_dim3A_438 : vector<128x512xi1>, vector<128x512xi32>
    %add3A_440 = arith.addi %select_n3A_439, %min3A_431 : vector<128x512xi32>
    %le3A = arith.constant 2.500000e+00 : f32
    %le3A_441 = vector.broadcast %le3A : f32 to vector<128x512xf32>
    %le3A_442 = arith.cmpf ole, %add3A_425, %le3A_441 : vector<128x512xf32>
    %jit3A_443 = arith.constant -1 : i32
    %broadcast_in_dim3A_444 = vector.broadcast %jit3A_443 : i32 to vector<128x512xi32>
    %select_n3A_445 = arith.select %le3A_442, %add3A_440, %broadcast_in_dim3A_444 : vector<128x512xi1>, vector<128x512xi32>
    %swap3A = arith.constant 0 : index
    %swap3A_446 = arith.constant 0 : index
    %swap3A_447 = arith.constant 0 : index
    %swap3A_448 = vector.load %arg6[%swap3A, %swap3A_446, %swap3A_447] : memref<1x128x512xi32, #tpu.memory_space<vmem>>, vector<1x128x512xi32>
    %swap3A_449 = vector.shape_cast %swap3A_448 : vector<1x128x512xi32> to vector<128x512xi32>
    %swap3A_450 = vector.shape_cast %select_n3A_445 : vector<128x512xi32> to vector<1x128x512xi32>
    tpu.vector_store %arg6[%swap3A, %swap3A_446, %swap3A_447], %swap3A_450 {strides = array<i32>} : memref<1x128x512xi32, #tpu.memory_space<vmem>>, vector<1x128x512xi32>,
    %eq3A_451 = arith.constant 1 : i32
    %eq3A_452 = vector.broadcast %eq3A_451 : i32 to vector<128x512xi32>
    %eq3A_453 = arith.cmpi eq, %get3A_8, %eq3A_452 : vector<128x512xi32>
    %convert_element_type3A_454 = arith.extui %eq3A_453 : vector<128x512xi1> to vector<128x512xi32>
    %convert_element_type3A_455 = arith.sitofp %convert_element_type3A_454 : vector<128x512xi32> to vector<128x512xf32>
    %eq3A_456 = arith.constant 0 : i32
    %eq3A_457 = vector.broadcast %eq3A_456 : i32 to vector<128x512xi32>
    %eq3A_458 = arith.cmpi eq, %get3A_8, %eq3A_457 : vector<128x512xi32>
    %convert_element_type3A_459 = arith.extui %eq3A_458 : vector<128x512xi1> to vector<128x512xi32>
    %convert_element_type3A_460 = arith.sitofp %convert_element_type3A_459 : vector<128x512xi32> to vector<128x512xf32>
    %gt3A = arith.constant 2.500000e+00 : f32
    %gt3A_461 = vector.broadcast %gt3A : f32 to vector<128x512xf32>
    %gt3A_462 = arith.cmpf ogt, %add3A_425, %gt3A_461 : vector<128x512xf32>
    %convert_element_type3A_463 = arith.extui %gt3A_462 : vector<128x512xi1> to vector<128x512xi32>
    %convert_element_type3A_464 = arith.sitofp %convert_element_type3A_463 : vector<128x512xi32> to vector<128x512xf32>
    %reduce_sum3A = arith.constant dense<0.000000e+00> : vector<512xf32>
    %reduce_sum3A_465 = vector.multi_reduction <add>, %convert_element_type3A_455, %reduce_sum3A [0] : vector<128x512xf32> to vector<512xf32>
    %broadcast_in_dim3A_466 = vector.shape_cast %reduce_sum3A_465 : vector<512xf32> to vector<1x512xf32>
    %mul3A_467 = arith.mulf %add3A_425, %convert_element_type3A_455 : vector<128x512xf32>
    %reduce_sum3A_468 = arith.constant dense<0.000000e+00> : vector<512xf32>
    %reduce_sum3A_469 = vector.multi_reduction <add>, %mul3A_467, %reduce_sum3A_468 [0] : vector<128x512xf32> to vector<512xf32>
    %broadcast_in_dim3A_470 = vector.shape_cast %reduce_sum3A_469 : vector<512xf32> to vector<1x512xf32>
    %mul3A_471 = arith.mulf %convert_element_type3A_455, %convert_element_type3A_464 : vector<128x512xf32>
    %reduce_sum3A_472 = arith.constant dense<0.000000e+00> : vector<512xf32>
    %reduce_sum3A_473 = vector.multi_reduction <add>, %mul3A_471, %reduce_sum3A_472 [0] : vector<128x512xf32> to vector<512xf32>
    %broadcast_in_dim3A_474 = vector.shape_cast %reduce_sum3A_473 : vector<512xf32> to vector<1x512xf32>
    %mul3A_475 = arith.mulf %add3A_425, %convert_element_type3A_455 : vector<128x512xf32>
    %mul3A_476 = arith.mulf %mul3A_475, %convert_element_type3A_464 : vector<128x512xf32>
    %reduce_sum3A_477 = arith.constant dense<0.000000e+00> : vector<512xf32>
    %reduce_sum3A_478 = vector.multi_reduction <add>, %mul3A_476, %reduce_sum3A_477 [0] : vector<128x512xf32> to vector<512xf32>
    %broadcast_in_dim3A_479 = vector.shape_cast %reduce_sum3A_478 : vector<512xf32> to vector<1x512xf32>
    %reduce_sum3A_480 = arith.constant dense<0.000000e+00> : vector<512xf32>
    %reduce_sum3A_481 = vector.multi_reduction <add>, %convert_element_type3A_460, %reduce_sum3A_480 [0] : vector<128x512xf32> to vector<512xf32>
    %broadcast_in_dim3A_482 = vector.shape_cast %reduce_sum3A_481 : vector<512xf32> to vector<1x512xf32>
    %mul3A_483 = arith.mulf %add3A_425, %convert_element_type3A_460 : vector<128x512xf32>
    %reduce_sum3A_484 = arith.constant dense<0.000000e+00> : vector<512xf32>
    %reduce_sum3A_485 = vector.multi_reduction <add>, %mul3A_483, %reduce_sum3A_484 [0] : vector<128x512xf32> to vector<512xf32>
    %broadcast_in_dim3A_486 = vector.shape_cast %reduce_sum3A_485 : vector<512xf32> to vector<1x512xf32>
    %mul3A_487 = arith.mulf %convert_element_type3A_460, %convert_element_type3A_464 : vector<128x512xf32>
    %reduce_sum3A_488 = arith.constant dense<0.000000e+00> : vector<512xf32>
    %reduce_sum3A_489 = vector.multi_reduction <add>, %mul3A_487, %reduce_sum3A_488 [0] : vector<128x512xf32> to vector<512xf32>
    %broadcast_in_dim3A_490 = vector.shape_cast %reduce_sum3A_489 : vector<512xf32> to vector<1x512xf32>
    %mul3A_491 = arith.mulf %add3A_425, %convert_element_type3A_460 : vector<128x512xf32>
    %mul3A_492 = arith.mulf %mul3A_491, %convert_element_type3A_464 : vector<128x512xf32>
    %reduce_sum3A_493 = arith.constant dense<0.000000e+00> : vector<512xf32>
    %reduce_sum3A_494 = vector.multi_reduction <add>, %mul3A_492, %reduce_sum3A_493 [0] : vector<128x512xf32> to vector<512xf32>
    %broadcast_in_dim3A_495 = vector.shape_cast %reduce_sum3A_494 : vector<512xf32> to vector<1x512xf32>
    %reduce_sum3A_496 = arith.constant dense<0.000000e+00> : vector<512xf32>
    %reduce_sum3A_497 = vector.multi_reduction <add>, %convert_element_type3A_383, %reduce_sum3A_496 [0] : vector<128x512xf32> to vector<512xf32>
    %broadcast_in_dim3A_498 = vector.shape_cast %reduce_sum3A_497 : vector<512xf32> to vector<1x512xf32>
    %broadcast_in_dim3A_499 = arith.constant 0.000000e+00 : f32
    %broadcast_in_dim3A_500 = vector.broadcast %broadcast_in_dim3A_499 : f32 to vector<7x512xf32>
    %concatenate3A = tpu.concatenate %broadcast_in_dim3A_466, %broadcast_in_dim3A_470, %broadcast_in_dim3A_474, %broadcast_in_dim3A_479, %broadcast_in_dim3A_482, %broadcast_in_dim3A_486, %broadcast_in_dim3A_490, %broadcast_in_dim3A_495, %broadcast_in_dim3A_498, %broadcast_in_dim3A_500 in 0 : vector<1x512xf32>, vector<1x512xf32>, vector<1x512xf32>, vector<1x512xf32>, vector<1x512xf32>, vector<1x512xf32>, vector<1x512xf32>, vector<1x512xf32>, vector<1x512xf32>, vector<7x512xf32> -> vector<16x512xf32>
    %eq3A_501 = arith.constant 0 : i32
    %eq3A_502 = arith.cmpi eq, %arg0, %eq3A_501 : i32
    %eq3A_503 = arith.constant 0 : i32
    %eq3A_504 = arith.cmpi eq, %arg1, %eq3A_503 : i32
    %and3A = arith.andi %eq3A_502, %eq3A_504 : i1
    %convert_element_type3A_505 = arith.extui %and3A : i1 to i32
    %cond3A = arith.constant 0 : i32
    %cond3A_506 = arith.cmpi ne, %convert_element_type3A_505, %cond3A : i32
    scf.if %cond3A_506 {
      %broadcast_in_dim3A_514 = arith.constant 0.000000e+00 : f32
      %broadcast_in_dim3A_515 = vector.broadcast %broadcast_in_dim3A_514 : f32 to vector<16x512xf32>
      %swap3A_516 = arith.constant 0 : index
      %swap3A_517 = arith.constant 0 : index
      %swap3A_518 = vector.load %arg7[%swap3A_516, %swap3A_517] : memref<16x512xf32, #tpu.memory_space<vmem>>, vector<16x512xf32>
      tpu.vector_store %arg7[%swap3A_516, %swap3A_517], %broadcast_in_dim3A_515 {strides = array<i32>} : memref<16x512xf32, #tpu.memory_space<vmem>>, vector<16x512xf32>,
    } else {
    }
    %get3A_507 = arith.constant 0 : index
    %get3A_508 = arith.constant 0 : index
    %get3A_509 = vector.load %arg7[%get3A_507, %get3A_508] : memref<16x512xf32, #tpu.memory_space<vmem>>, vector<16x512xf32>
    %add3A_510 = arith.addf %get3A_509, %concatenate3A : vector<16x512xf32>
    %swap3A_511 = arith.constant 0 : index
    %swap3A_512 = arith.constant 0 : index
    %swap3A_513 = vector.load %arg7[%swap3A_511, %swap3A_512] : memref<16x512xf32, #tpu.memory_space<vmem>>, vector<16x512xf32>
    tpu.vector_store %arg7[%swap3A_511, %swap3A_512], %add3A_510 {strides = array<i32>} : memref<16x512xf32, #tpu.memory_space<vmem>>, vector<16x512xf32>,
    return
  }
  func.func @transform_0(%arg0: i32, %arg1: i32) -> (i32, i32, i32, i32) {
    %c0_i32 = arith.constant 0 : i32
    %c0_i32_0 = arith.constant 0 : i32
    %c0_i32_1 = arith.constant 0 : i32
    return %arg0, %c0_i32, %arg1, %c0_i32_0 : i32, i32, i32, i32
  }
  func.func @transform_1(%arg0: i32, %arg1: i32) -> (i32, i32, i32, i32) {
    %c0_i32 = arith.constant 0 : i32
    %c0_i32_0 = arith.constant 0 : i32
    %c0_i32_1 = arith.constant 0 : i32
    return %arg0, %c0_i32, %arg1, %c0_i32_0 : i32, i32, i32, i32
  }
  func.func @transform_2(%arg0: i32, %arg1: i32) -> (i32, i32, i32) {
    %c0_i32 = arith.constant 0 : i32
    %c0_i32_0 = arith.constant 0 : i32
    return %arg0, %arg1, %c0_i32 : i32, i32, i32
  }
  func.func @transform_3(%arg0: i32, %arg1: i32) -> (i32, i32, i32) {
    %c0_i32 = arith.constant 0 : i32
    %c0_i32_0 = arith.constant 0 : i32
    return %arg0, %arg1, %c0_i32 : i32, i32, i32
  }
  func.func @transform_4(%arg0: i32, %arg1: i32) -> (i32, i32, i32) {
    %c0_i32 = arith.constant 0 : i32
    %c0_i32_0 = arith.constant 0 : i32
    return %arg0, %arg1, %c0_i32 : i32, i32, i32
  }
  func.func @transform_5(%arg0: i32, %arg1: i32) -> (i32, i32) {
    %c0_i32 = arith.constant 0 : i32
    %c0_i32_0 = arith.constant 0 : i32
    %c0_i32_1 = arith.constant 0 : i32
    return %c0_i32, %c0_i32_0 : i32, i32
  }
}

module attributes {stable_mosaic.version = 14 : i64} {
  func.func @_finalize_body(%arg0: memref<16x512xf32, #tpu.memory_space<vmem>>, %arg1: memref<32x4096xf32, #tpu.memory_space<vmem>>, %arg2: memref<1x1xf32, #tpu.memory_space<smem>>) attributes {dimension_semantics = [], scalar_prefetch = 0 : i64, scratch_operands = 0 : i64, tpu.core_type = #tpu.core_type<tc>} {
    %get3A = arith.constant 0 : index
    %get3A_0 = arith.constant 0 : index
    %get3A_1 = vector.load %arg0[%get3A, %get3A_0] : memref<16x512xf32, #tpu.memory_space<vmem>>, vector<16x512xf32>
    %slice3A = vector.extract_strided_slice %get3A_1 {offsets = [0, 0], sizes = [1, 512], strides = [1, 1]} : vector<16x512xf32> to vector<1x512xf32>
    %reduce_sum3A = vector.shape_cast %slice3A : vector<1x512xf32> to vector<1x1x512xf32>
    %reduce_sum3A_2 = arith.constant dense<0.000000e+00> : vector<1xf32>
    %reduce_sum3A_3 = vector.multi_reduction <add>, %reduce_sum3A, %reduce_sum3A_2 [1, 2] : vector<1x1x512xf32> to vector<1xf32>
    %reduce_sum3A_4 = vector.shape_cast %reduce_sum3A_3 : vector<1xf32> to vector<1x1x1xf32>
    %reduce_sum3A_5 = vector.extract %reduce_sum3A_4[0, 0, 0] : f32 from vector<1x1x1xf32>
    %slice3A_6 = vector.extract_strided_slice %get3A_1 {offsets = [1, 0], sizes = [1, 512], strides = [1, 1]} : vector<16x512xf32> to vector<1x512xf32>
    %reduce_sum3A_7 = vector.shape_cast %slice3A_6 : vector<1x512xf32> to vector<1x1x512xf32>
    %reduce_sum3A_8 = arith.constant dense<0.000000e+00> : vector<1xf32>
    %reduce_sum3A_9 = vector.multi_reduction <add>, %reduce_sum3A_7, %reduce_sum3A_8 [1, 2] : vector<1x1x512xf32> to vector<1xf32>
    %reduce_sum3A_10 = vector.shape_cast %reduce_sum3A_9 : vector<1xf32> to vector<1x1x1xf32>
    %reduce_sum3A_11 = vector.extract %reduce_sum3A_10[0, 0, 0] : f32 from vector<1x1x1xf32>
    %slice3A_12 = vector.extract_strided_slice %get3A_1 {offsets = [2, 0], sizes = [1, 512], strides = [1, 1]} : vector<16x512xf32> to vector<1x512xf32>
    %reduce_sum3A_13 = vector.shape_cast %slice3A_12 : vector<1x512xf32> to vector<1x1x512xf32>
    %reduce_sum3A_14 = arith.constant dense<0.000000e+00> : vector<1xf32>
    %reduce_sum3A_15 = vector.multi_reduction <add>, %reduce_sum3A_13, %reduce_sum3A_14 [1, 2] : vector<1x1x512xf32> to vector<1xf32>
    %reduce_sum3A_16 = vector.shape_cast %reduce_sum3A_15 : vector<1xf32> to vector<1x1x1xf32>
    %reduce_sum3A_17 = vector.extract %reduce_sum3A_16[0, 0, 0] : f32 from vector<1x1x1xf32>
    %slice3A_18 = vector.extract_strided_slice %get3A_1 {offsets = [3, 0], sizes = [1, 512], strides = [1, 1]} : vector<16x512xf32> to vector<1x512xf32>
    %reduce_sum3A_19 = vector.shape_cast %slice3A_18 : vector<1x512xf32> to vector<1x1x512xf32>
    %reduce_sum3A_20 = arith.constant dense<0.000000e+00> : vector<1xf32>
    %reduce_sum3A_21 = vector.multi_reduction <add>, %reduce_sum3A_19, %reduce_sum3A_20 [1, 2] : vector<1x1x512xf32> to vector<1xf32>
    %reduce_sum3A_22 = vector.shape_cast %reduce_sum3A_21 : vector<1xf32> to vector<1x1x1xf32>
    %reduce_sum3A_23 = vector.extract %reduce_sum3A_22[0, 0, 0] : f32 from vector<1x1x1xf32>
    %slice3A_24 = vector.extract_strided_slice %get3A_1 {offsets = [4, 0], sizes = [1, 512], strides = [1, 1]} : vector<16x512xf32> to vector<1x512xf32>
    %reduce_sum3A_25 = vector.shape_cast %slice3A_24 : vector<1x512xf32> to vector<1x1x512xf32>
    %reduce_sum3A_26 = arith.constant dense<0.000000e+00> : vector<1xf32>
    %reduce_sum3A_27 = vector.multi_reduction <add>, %reduce_sum3A_25, %reduce_sum3A_26 [1, 2] : vector<1x1x512xf32> to vector<1xf32>
    %reduce_sum3A_28 = vector.shape_cast %reduce_sum3A_27 : vector<1xf32> to vector<1x1x1xf32>
    %reduce_sum3A_29 = vector.extract %reduce_sum3A_28[0, 0, 0] : f32 from vector<1x1x1xf32>
    %slice3A_30 = vector.extract_strided_slice %get3A_1 {offsets = [5, 0], sizes = [1, 512], strides = [1, 1]} : vector<16x512xf32> to vector<1x512xf32>
    %reduce_sum3A_31 = vector.shape_cast %slice3A_30 : vector<1x512xf32> to vector<1x1x512xf32>
    %reduce_sum3A_32 = arith.constant dense<0.000000e+00> : vector<1xf32>
    %reduce_sum3A_33 = vector.multi_reduction <add>, %reduce_sum3A_31, %reduce_sum3A_32 [1, 2] : vector<1x1x512xf32> to vector<1xf32>
    %reduce_sum3A_34 = vector.shape_cast %reduce_sum3A_33 : vector<1xf32> to vector<1x1x1xf32>
    %reduce_sum3A_35 = vector.extract %reduce_sum3A_34[0, 0, 0] : f32 from vector<1x1x1xf32>
    %slice3A_36 = vector.extract_strided_slice %get3A_1 {offsets = [6, 0], sizes = [1, 512], strides = [1, 1]} : vector<16x512xf32> to vector<1x512xf32>
    %reduce_sum3A_37 = vector.shape_cast %slice3A_36 : vector<1x512xf32> to vector<1x1x512xf32>
    %reduce_sum3A_38 = arith.constant dense<0.000000e+00> : vector<1xf32>
    %reduce_sum3A_39 = vector.multi_reduction <add>, %reduce_sum3A_37, %reduce_sum3A_38 [1, 2] : vector<1x1x512xf32> to vector<1xf32>
    %reduce_sum3A_40 = vector.shape_cast %reduce_sum3A_39 : vector<1xf32> to vector<1x1x1xf32>
    %reduce_sum3A_41 = vector.extract %reduce_sum3A_40[0, 0, 0] : f32 from vector<1x1x1xf32>
    %slice3A_42 = vector.extract_strided_slice %get3A_1 {offsets = [7, 0], sizes = [1, 512], strides = [1, 1]} : vector<16x512xf32> to vector<1x512xf32>
    %reduce_sum3A_43 = vector.shape_cast %slice3A_42 : vector<1x512xf32> to vector<1x1x512xf32>
    %reduce_sum3A_44 = arith.constant dense<0.000000e+00> : vector<1xf32>
    %reduce_sum3A_45 = vector.multi_reduction <add>, %reduce_sum3A_43, %reduce_sum3A_44 [1, 2] : vector<1x1x512xf32> to vector<1xf32>
    %reduce_sum3A_46 = vector.shape_cast %reduce_sum3A_45 : vector<1xf32> to vector<1x1x1xf32>
    %reduce_sum3A_47 = vector.extract %reduce_sum3A_46[0, 0, 0] : f32 from vector<1x1x1xf32>
    %slice3A_48 = vector.extract_strided_slice %get3A_1 {offsets = [8, 0], sizes = [1, 512], strides = [1, 1]} : vector<16x512xf32> to vector<1x512xf32>
    %reduce_sum3A_49 = vector.shape_cast %slice3A_48 : vector<1x512xf32> to vector<1x1x512xf32>
    %reduce_sum3A_50 = arith.constant dense<0.000000e+00> : vector<1xf32>
    %reduce_sum3A_51 = vector.multi_reduction <add>, %reduce_sum3A_49, %reduce_sum3A_50 [1, 2] : vector<1x1x512xf32> to vector<1xf32>
    %reduce_sum3A_52 = vector.shape_cast %reduce_sum3A_51 : vector<1xf32> to vector<1x1x1xf32>
    %reduce_sum3A_53 = vector.extract %reduce_sum3A_52[0, 0, 0] : f32 from vector<1x1x1xf32>
    %mul3A = arith.constant 1.000000e-01 : f32
    %mul3A_54 = arith.mulf %reduce_sum3A_53, %mul3A : f32
    %floor3A = math.floor %mul3A_54 : f32
    %get3A_55 = arith.constant 0 : index
    %get3A_56 = arith.constant 0 : index
    %get3A_57 = vector.load %arg1[%get3A_55, %get3A_56] : memref<32x4096xf32, #tpu.memory_space<vmem>>, vector<32x4096xf32>
    %reduce_sum3A_58 = arith.constant dense<0.000000e+00> : vector<4096xf32>
    %reduce_sum3A_59 = vector.multi_reduction <add>, %get3A_57, %reduce_sum3A_58 [0] : vector<32x4096xf32> to vector<4096xf32>
    %broadcast_in_dim3A = vector.shape_cast %reduce_sum3A_59 : vector<4096xf32> to vector<1x4096xf32>
    %iota3A = tpu.iota {dimensions = array<i32: 1>} : vector<1x2048xi32>
    %convert_element_type3A = arith.sitofp %iota3A : vector<1x2048xi32> to vector<1x2048xf32>
    %add3A = arith.constant 5.000000e-01 : f32
    %add3A_60 = vector.broadcast %add3A : f32 to vector<1x2048xf32>
    %add3A_61 = arith.addf %convert_element_type3A, %add3A_60 : vector<1x2048xf32>
    %div3A = arith.constant 8.192000e+02 : f32
    %div3A_62 = vector.broadcast %div3A : f32 to vector<1x2048xf32>
    %div3A_63 = arith.divf %add3A_61, %div3A_62 : vector<1x2048xf32>
    %slice3A_64 = vector.extract_strided_slice %broadcast_in_dim3A {offsets = [0, 0], sizes = [1, 2048], strides = [1, 1]} : vector<1x4096xf32> to vector<1x2048xf32>
    %sub3A = arith.subf %floor3A, %reduce_sum3A_41 : f32
    %slice3A_65 = vector.extract_strided_slice %slice3A_64 {offsets = [0, 1], sizes = [1, 2047], strides = [1, 1]} : vector<1x2048xf32> to vector<1x2047xf32>
    %broadcast_in_dim3A_66 = arith.constant 0.000000e+00 : f32
    %broadcast_in_dim3A_67 = vector.broadcast %broadcast_in_dim3A_66 : f32 to vector<1x1xf32>
    %concatenate3A = tpu.concatenate %slice3A_65, %broadcast_in_dim3A_67 in 1 : vector<1x2047xf32>, vector<1x1xf32> -> vector<1x2048xf32>
    %add3A_68 = arith.addf %slice3A_64, %concatenate3A : vector<1x2048xf32>
    %slice3A_69 = vector.extract_strided_slice %add3A_68 {offsets = [0, 2], sizes = [1, 2046], strides = [1, 1]} : vector<1x2048xf32> to vector<1x2046xf32>
    %broadcast_in_dim3A_70 = arith.constant 0.000000e+00 : f32
    %broadcast_in_dim3A_71 = vector.broadcast %broadcast_in_dim3A_70 : f32 to vector<1x2xf32>
    %concatenate3A_72 = tpu.concatenate %slice3A_69, %broadcast_in_dim3A_71 in 1 : vector<1x2046xf32>, vector<1x2xf32> -> vector<1x2048xf32>
    %add3A_73 = arith.addf %add3A_68, %concatenate3A_72 : vector<1x2048xf32>
    %slice3A_74 = vector.extract_strided_slice %add3A_73 {offsets = [0, 4], sizes = [1, 2044], strides = [1, 1]} : vector<1x2048xf32> to vector<1x2044xf32>
    %broadcast_in_dim3A_75 = arith.constant 0.000000e+00 : f32
    %broadcast_in_dim3A_76 = vector.broadcast %broadcast_in_dim3A_75 : f32 to vector<1x4xf32>
    %concatenate3A_77 = tpu.concatenate %slice3A_74, %broadcast_in_dim3A_76 in 1 : vector<1x2044xf32>, vector<1x4xf32> -> vector<1x2048xf32>
    %add3A_78 = arith.addf %add3A_73, %concatenate3A_77 : vector<1x2048xf32>
    %slice3A_79 = vector.extract_strided_slice %add3A_78 {offsets = [0, 8], sizes = [1, 2040], strides = [1, 1]} : vector<1x2048xf32> to vector<1x2040xf32>
    %broadcast_in_dim3A_80 = arith.constant 0.000000e+00 : f32
    %broadcast_in_dim3A_81 = vector.broadcast %broadcast_in_dim3A_80 : f32 to vector<1x8xf32>
    %concatenate3A_82 = tpu.concatenate %slice3A_79, %broadcast_in_dim3A_81 in 1 : vector<1x2040xf32>, vector<1x8xf32> -> vector<1x2048xf32>
    %add3A_83 = arith.addf %add3A_78, %concatenate3A_82 : vector<1x2048xf32>
    %slice3A_84 = vector.extract_strided_slice %add3A_83 {offsets = [0, 16], sizes = [1, 2032], strides = [1, 1]} : vector<1x2048xf32> to vector<1x2032xf32>
    %broadcast_in_dim3A_85 = arith.constant 0.000000e+00 : f32
    %broadcast_in_dim3A_86 = vector.broadcast %broadcast_in_dim3A_85 : f32 to vector<1x16xf32>
    %concatenate3A_87 = tpu.concatenate %slice3A_84, %broadcast_in_dim3A_86 in 1 : vector<1x2032xf32>, vector<1x16xf32> -> vector<1x2048xf32>
    %add3A_88 = arith.addf %add3A_83, %concatenate3A_87 : vector<1x2048xf32>
    %slice3A_89 = vector.extract_strided_slice %add3A_88 {offsets = [0, 32], sizes = [1, 2016], strides = [1, 1]} : vector<1x2048xf32> to vector<1x2016xf32>
    %broadcast_in_dim3A_90 = arith.constant 0.000000e+00 : f32
    %broadcast_in_dim3A_91 = vector.broadcast %broadcast_in_dim3A_90 : f32 to vector<1x32xf32>
    %concatenate3A_92 = tpu.concatenate %slice3A_89, %broadcast_in_dim3A_91 in 1 : vector<1x2016xf32>, vector<1x32xf32> -> vector<1x2048xf32>
    %add3A_93 = arith.addf %add3A_88, %concatenate3A_92 : vector<1x2048xf32>
    %slice3A_94 = vector.extract_strided_slice %add3A_93 {offsets = [0, 64], sizes = [1, 1984], strides = [1, 1]} : vector<1x2048xf32> to vector<1x1984xf32>
    %broadcast_in_dim3A_95 = arith.constant 0.000000e+00 : f32
    %broadcast_in_dim3A_96 = vector.broadcast %broadcast_in_dim3A_95 : f32 to vector<1x64xf32>
    %concatenate3A_97 = tpu.concatenate %slice3A_94, %broadcast_in_dim3A_96 in 1 : vector<1x1984xf32>, vector<1x64xf32> -> vector<1x2048xf32>
    %add3A_98 = arith.addf %add3A_93, %concatenate3A_97 : vector<1x2048xf32>
    %slice3A_99 = vector.extract_strided_slice %add3A_98 {offsets = [0, 128], sizes = [1, 1920], strides = [1, 1]} : vector<1x2048xf32> to vector<1x1920xf32>
    %broadcast_in_dim3A_100 = arith.constant 0.000000e+00 : f32
    %broadcast_in_dim3A_101 = vector.broadcast %broadcast_in_dim3A_100 : f32 to vector<1x128xf32>
    %concatenate3A_102 = tpu.concatenate %slice3A_99, %broadcast_in_dim3A_101 in 1 : vector<1x1920xf32>, vector<1x128xf32> -> vector<1x2048xf32>
    %add3A_103 = arith.addf %add3A_98, %concatenate3A_102 : vector<1x2048xf32>
    %slice3A_104 = vector.extract_strided_slice %add3A_103 {offsets = [0, 256], sizes = [1, 1792], strides = [1, 1]} : vector<1x2048xf32> to vector<1x1792xf32>
    %broadcast_in_dim3A_105 = arith.constant 0.000000e+00 : f32
    %broadcast_in_dim3A_106 = vector.broadcast %broadcast_in_dim3A_105 : f32 to vector<1x256xf32>
    %concatenate3A_107 = tpu.concatenate %slice3A_104, %broadcast_in_dim3A_106 in 1 : vector<1x1792xf32>, vector<1x256xf32> -> vector<1x2048xf32>
    %add3A_108 = arith.addf %add3A_103, %concatenate3A_107 : vector<1x2048xf32>
    %slice3A_109 = vector.extract_strided_slice %add3A_108 {offsets = [0, 512], sizes = [1, 1536], strides = [1, 1]} : vector<1x2048xf32> to vector<1x1536xf32>
    %broadcast_in_dim3A_110 = arith.constant 0.000000e+00 : f32
    %broadcast_in_dim3A_111 = vector.broadcast %broadcast_in_dim3A_110 : f32 to vector<1x512xf32>
    %concatenate3A_112 = tpu.concatenate %slice3A_109, %broadcast_in_dim3A_111 in 1 : vector<1x1536xf32>, vector<1x512xf32> -> vector<1x2048xf32>
    %add3A_113 = arith.addf %add3A_108, %concatenate3A_112 : vector<1x2048xf32>
    %slice3A_114 = vector.extract_strided_slice %add3A_113 {offsets = [0, 1024], sizes = [1, 1024], strides = [1, 1]} : vector<1x2048xf32> to vector<1x1024xf32>
    %broadcast_in_dim3A_115 = arith.constant 0.000000e+00 : f32
    %broadcast_in_dim3A_116 = vector.broadcast %broadcast_in_dim3A_115 : f32 to vector<1x1024xf32>
    %concatenate3A_117 = tpu.concatenate %slice3A_114, %broadcast_in_dim3A_116 in 1 : vector<1x1024xf32>, vector<1x1024xf32> -> vector<1x2048xf32>
    %add3A_118 = arith.addf %add3A_113, %concatenate3A_117 : vector<1x2048xf32>
    %le3A = vector.broadcast %sub3A : f32 to vector<1x2048xf32>
    %le3A_119 = arith.cmpf ole, %add3A_118, %le3A : vector<1x2048xf32>
    %convert_element_type3A_120 = arith.extui %le3A_119 : vector<1x2048xi1> to vector<1x2048xi32>
    %convert_element_type3A_121 = arith.sitofp %convert_element_type3A_120 : vector<1x2048xi32> to vector<1x2048xf32>
    %mul3A_122 = arith.mulf %convert_element_type3A_121, %slice3A_64 : vector<1x2048xf32>
    %reduce_sum3A_123 = vector.shape_cast %mul3A_122 : vector<1x2048xf32> to vector<1x1x2048xf32>
    %reduce_sum3A_124 = arith.constant dense<0.000000e+00> : vector<1xf32>
    %reduce_sum3A_125 = vector.multi_reduction <add>, %reduce_sum3A_123, %reduce_sum3A_124 [1, 2] : vector<1x1x2048xf32> to vector<1xf32>
    %reduce_sum3A_126 = vector.shape_cast %reduce_sum3A_125 : vector<1xf32> to vector<1x1x1xf32>
    %reduce_sum3A_127 = vector.extract %reduce_sum3A_126[0, 0, 0] : f32 from vector<1x1x1xf32>
    %mul3A_128 = arith.mulf %convert_element_type3A_121, %slice3A_64 : vector<1x2048xf32>
    %mul3A_129 = arith.mulf %mul3A_128, %div3A_63 : vector<1x2048xf32>
    %reduce_sum3A_130 = vector.shape_cast %mul3A_129 : vector<1x2048xf32> to vector<1x1x2048xf32>
    %reduce_sum3A_131 = arith.constant dense<0.000000e+00> : vector<1xf32>
    %reduce_sum3A_132 = vector.multi_reduction <add>, %reduce_sum3A_130, %reduce_sum3A_131 [1, 2] : vector<1x1x2048xf32> to vector<1xf32>
    %reduce_sum3A_133 = vector.shape_cast %reduce_sum3A_132 : vector<1xf32> to vector<1x1x1xf32>
    %reduce_sum3A_134 = vector.extract %reduce_sum3A_133[0, 0, 0] : f32 from vector<1x1x1xf32>
    %sub3A_135 = arith.subf %add3A_118, %slice3A_64 : vector<1x2048xf32>
    %gt3A = vector.broadcast %sub3A : f32 to vector<1x2048xf32>
    %gt3A_136 = arith.cmpf ogt, %add3A_118, %gt3A : vector<1x2048xf32>
    %le3A_137 = vector.broadcast %sub3A : f32 to vector<1x2048xf32>
    %le3A_138 = arith.cmpf ole, %sub3A_135, %le3A_137 : vector<1x2048xf32>
    %and3A = arith.andi %gt3A_136, %le3A_138 : vector<1x2048xi1>
    %convert_element_type3A_139 = arith.extui %and3A : vector<1x2048xi1> to vector<1x2048xi32>
    %convert_element_type3A_140 = arith.sitofp %convert_element_type3A_139 : vector<1x2048xi32> to vector<1x2048xf32>
    %mul3A_141 = arith.mulf %convert_element_type3A_140, %div3A_63 : vector<1x2048xf32>
    %reduce_sum3A_142 = vector.shape_cast %mul3A_141 : vector<1x2048xf32> to vector<1x1x2048xf32>
    %reduce_sum3A_143 = arith.constant dense<0.000000e+00> : vector<1xf32>
    %reduce_sum3A_144 = vector.multi_reduction <add>, %reduce_sum3A_142, %reduce_sum3A_143 [1, 2] : vector<1x1x2048xf32> to vector<1xf32>
    %reduce_sum3A_145 = vector.shape_cast %reduce_sum3A_144 : vector<1xf32> to vector<1x1x1xf32>
    %reduce_sum3A_146 = vector.extract %reduce_sum3A_145[0, 0, 0] : f32 from vector<1x1x1xf32>
    %sub3A_147 = arith.subf %sub3A, %reduce_sum3A_127 : f32
    %mul3A_148 = arith.mulf %sub3A_147, %reduce_sum3A_146 : f32
    %add3A_149 = arith.addf %reduce_sum3A_134, %mul3A_148 : f32
    %add3A_150 = arith.addf %reduce_sum3A_47, %add3A_149 : f32
    %slice3A_151 = vector.extract_strided_slice %broadcast_in_dim3A {offsets = [0, 2048], sizes = [1, 2048], strides = [1, 1]} : vector<1x4096xf32> to vector<1x2048xf32>
    %sub3A_152 = arith.subf %floor3A, %reduce_sum3A_17 : f32
    %slice3A_153 = vector.extract_strided_slice %slice3A_151 {offsets = [0, 1], sizes = [1, 2047], strides = [1, 1]} : vector<1x2048xf32> to vector<1x2047xf32>
    %broadcast_in_dim3A_154 = arith.constant 0.000000e+00 : f32
    %broadcast_in_dim3A_155 = vector.broadcast %broadcast_in_dim3A_154 : f32 to vector<1x1xf32>
    %concatenate3A_156 = tpu.concatenate %slice3A_153, %broadcast_in_dim3A_155 in 1 : vector<1x2047xf32>, vector<1x1xf32> -> vector<1x2048xf32>
    %add3A_157 = arith.addf %slice3A_151, %concatenate3A_156 : vector<1x2048xf32>
    %slice3A_158 = vector.extract_strided_slice %add3A_157 {offsets = [0, 2], sizes = [1, 2046], strides = [1, 1]} : vector<1x2048xf32> to vector<1x2046xf32>
    %broadcast_in_dim3A_159 = arith.constant 0.000000e+00 : f32
    %broadcast_in_dim3A_160 = vector.broadcast %broadcast_in_dim3A_159 : f32 to vector<1x2xf32>
    %concatenate3A_161 = tpu.concatenate %slice3A_158, %broadcast_in_dim3A_160 in 1 : vector<1x2046xf32>, vector<1x2xf32> -> vector<1x2048xf32>
    %add3A_162 = arith.addf %add3A_157, %concatenate3A_161 : vector<1x2048xf32>
    %slice3A_163 = vector.extract_strided_slice %add3A_162 {offsets = [0, 4], sizes = [1, 2044], strides = [1, 1]} : vector<1x2048xf32> to vector<1x2044xf32>
    %broadcast_in_dim3A_164 = arith.constant 0.000000e+00 : f32
    %broadcast_in_dim3A_165 = vector.broadcast %broadcast_in_dim3A_164 : f32 to vector<1x4xf32>
    %concatenate3A_166 = tpu.concatenate %slice3A_163, %broadcast_in_dim3A_165 in 1 : vector<1x2044xf32>, vector<1x4xf32> -> vector<1x2048xf32>
    %add3A_167 = arith.addf %add3A_162, %concatenate3A_166 : vector<1x2048xf32>
    %slice3A_168 = vector.extract_strided_slice %add3A_167 {offsets = [0, 8], sizes = [1, 2040], strides = [1, 1]} : vector<1x2048xf32> to vector<1x2040xf32>
    %broadcast_in_dim3A_169 = arith.constant 0.000000e+00 : f32
    %broadcast_in_dim3A_170 = vector.broadcast %broadcast_in_dim3A_169 : f32 to vector<1x8xf32>
    %concatenate3A_171 = tpu.concatenate %slice3A_168, %broadcast_in_dim3A_170 in 1 : vector<1x2040xf32>, vector<1x8xf32> -> vector<1x2048xf32>
    %add3A_172 = arith.addf %add3A_167, %concatenate3A_171 : vector<1x2048xf32>
    %slice3A_173 = vector.extract_strided_slice %add3A_172 {offsets = [0, 16], sizes = [1, 2032], strides = [1, 1]} : vector<1x2048xf32> to vector<1x2032xf32>
    %broadcast_in_dim3A_174 = arith.constant 0.000000e+00 : f32
    %broadcast_in_dim3A_175 = vector.broadcast %broadcast_in_dim3A_174 : f32 to vector<1x16xf32>
    %concatenate3A_176 = tpu.concatenate %slice3A_173, %broadcast_in_dim3A_175 in 1 : vector<1x2032xf32>, vector<1x16xf32> -> vector<1x2048xf32>
    %add3A_177 = arith.addf %add3A_172, %concatenate3A_176 : vector<1x2048xf32>
    %slice3A_178 = vector.extract_strided_slice %add3A_177 {offsets = [0, 32], sizes = [1, 2016], strides = [1, 1]} : vector<1x2048xf32> to vector<1x2016xf32>
    %broadcast_in_dim3A_179 = arith.constant 0.000000e+00 : f32
    %broadcast_in_dim3A_180 = vector.broadcast %broadcast_in_dim3A_179 : f32 to vector<1x32xf32>
    %concatenate3A_181 = tpu.concatenate %slice3A_178, %broadcast_in_dim3A_180 in 1 : vector<1x2016xf32>, vector<1x32xf32> -> vector<1x2048xf32>
    %add3A_182 = arith.addf %add3A_177, %concatenate3A_181 : vector<1x2048xf32>
    %slice3A_183 = vector.extract_strided_slice %add3A_182 {offsets = [0, 64], sizes = [1, 1984], strides = [1, 1]} : vector<1x2048xf32> to vector<1x1984xf32>
    %broadcast_in_dim3A_184 = arith.constant 0.000000e+00 : f32
    %broadcast_in_dim3A_185 = vector.broadcast %broadcast_in_dim3A_184 : f32 to vector<1x64xf32>
    %concatenate3A_186 = tpu.concatenate %slice3A_183, %broadcast_in_dim3A_185 in 1 : vector<1x1984xf32>, vector<1x64xf32> -> vector<1x2048xf32>
    %add3A_187 = arith.addf %add3A_182, %concatenate3A_186 : vector<1x2048xf32>
    %slice3A_188 = vector.extract_strided_slice %add3A_187 {offsets = [0, 128], sizes = [1, 1920], strides = [1, 1]} : vector<1x2048xf32> to vector<1x1920xf32>
    %broadcast_in_dim3A_189 = arith.constant 0.000000e+00 : f32
    %broadcast_in_dim3A_190 = vector.broadcast %broadcast_in_dim3A_189 : f32 to vector<1x128xf32>
    %concatenate3A_191 = tpu.concatenate %slice3A_188, %broadcast_in_dim3A_190 in 1 : vector<1x1920xf32>, vector<1x128xf32> -> vector<1x2048xf32>
    %add3A_192 = arith.addf %add3A_187, %concatenate3A_191 : vector<1x2048xf32>
    %slice3A_193 = vector.extract_strided_slice %add3A_192 {offsets = [0, 256], sizes = [1, 1792], strides = [1, 1]} : vector<1x2048xf32> to vector<1x1792xf32>
    %broadcast_in_dim3A_194 = arith.constant 0.000000e+00 : f32
    %broadcast_in_dim3A_195 = vector.broadcast %broadcast_in_dim3A_194 : f32 to vector<1x256xf32>
    %concatenate3A_196 = tpu.concatenate %slice3A_193, %broadcast_in_dim3A_195 in 1 : vector<1x1792xf32>, vector<1x256xf32> -> vector<1x2048xf32>
    %add3A_197 = arith.addf %add3A_192, %concatenate3A_196 : vector<1x2048xf32>
    %slice3A_198 = vector.extract_strided_slice %add3A_197 {offsets = [0, 512], sizes = [1, 1536], strides = [1, 1]} : vector<1x2048xf32> to vector<1x1536xf32>
    %broadcast_in_dim3A_199 = arith.constant 0.000000e+00 : f32
    %broadcast_in_dim3A_200 = vector.broadcast %broadcast_in_dim3A_199 : f32 to vector<1x512xf32>
    %concatenate3A_201 = tpu.concatenate %slice3A_198, %broadcast_in_dim3A_200 in 1 : vector<1x1536xf32>, vector<1x512xf32> -> vector<1x2048xf32>
    %add3A_202 = arith.addf %add3A_197, %concatenate3A_201 : vector<1x2048xf32>
    %slice3A_203 = vector.extract_strided_slice %add3A_202 {offsets = [0, 1024], sizes = [1, 1024], strides = [1, 1]} : vector<1x2048xf32> to vector<1x1024xf32>
    %broadcast_in_dim3A_204 = arith.constant 0.000000e+00 : f32
    %broadcast_in_dim3A_205 = vector.broadcast %broadcast_in_dim3A_204 : f32 to vector<1x1024xf32>
    %concatenate3A_206 = tpu.concatenate %slice3A_203, %broadcast_in_dim3A_205 in 1 : vector<1x1024xf32>, vector<1x1024xf32> -> vector<1x2048xf32>
    %add3A_207 = arith.addf %add3A_202, %concatenate3A_206 : vector<1x2048xf32>
    %le3A_208 = vector.broadcast %sub3A_152 : f32 to vector<1x2048xf32>
    %le3A_209 = arith.cmpf ole, %add3A_207, %le3A_208 : vector<1x2048xf32>
    %convert_element_type3A_210 = arith.extui %le3A_209 : vector<1x2048xi1> to vector<1x2048xi32>
    %convert_element_type3A_211 = arith.sitofp %convert_element_type3A_210 : vector<1x2048xi32> to vector<1x2048xf32>
    %mul3A_212 = arith.mulf %convert_element_type3A_211, %slice3A_151 : vector<1x2048xf32>
    %reduce_sum3A_213 = vector.shape_cast %mul3A_212 : vector<1x2048xf32> to vector<1x1x2048xf32>
    %reduce_sum3A_214 = arith.constant dense<0.000000e+00> : vector<1xf32>
    %reduce_sum3A_215 = vector.multi_reduction <add>, %reduce_sum3A_213, %reduce_sum3A_214 [1, 2] : vector<1x1x2048xf32> to vector<1xf32>
    %reduce_sum3A_216 = vector.shape_cast %reduce_sum3A_215 : vector<1xf32> to vector<1x1x1xf32>
    %reduce_sum3A_217 = vector.extract %reduce_sum3A_216[0, 0, 0] : f32 from vector<1x1x1xf32>
    %mul3A_218 = arith.mulf %convert_element_type3A_211, %slice3A_151 : vector<1x2048xf32>
    %mul3A_219 = arith.mulf %mul3A_218, %div3A_63 : vector<1x2048xf32>
    %reduce_sum3A_220 = vector.shape_cast %mul3A_219 : vector<1x2048xf32> to vector<1x1x2048xf32>
    %reduce_sum3A_221 = arith.constant dense<0.000000e+00> : vector<1xf32>
    %reduce_sum3A_222 = vector.multi_reduction <add>, %reduce_sum3A_220, %reduce_sum3A_221 [1, 2] : vector<1x1x2048xf32> to vector<1xf32>
    %reduce_sum3A_223 = vector.shape_cast %reduce_sum3A_222 : vector<1xf32> to vector<1x1x1xf32>
    %reduce_sum3A_224 = vector.extract %reduce_sum3A_223[0, 0, 0] : f32 from vector<1x1x1xf32>
    %sub3A_225 = arith.subf %add3A_207, %slice3A_151 : vector<1x2048xf32>
    %gt3A_226 = vector.broadcast %sub3A_152 : f32 to vector<1x2048xf32>
    %gt3A_227 = arith.cmpf ogt, %add3A_207, %gt3A_226 : vector<1x2048xf32>
    %le3A_228 = vector.broadcast %sub3A_152 : f32 to vector<1x2048xf32>
    %le3A_229 = arith.cmpf ole, %sub3A_225, %le3A_228 : vector<1x2048xf32>
    %and3A_230 = arith.andi %gt3A_227, %le3A_229 : vector<1x2048xi1>
    %convert_element_type3A_231 = arith.extui %and3A_230 : vector<1x2048xi1> to vector<1x2048xi32>
    %convert_element_type3A_232 = arith.sitofp %convert_element_type3A_231 : vector<1x2048xi32> to vector<1x2048xf32>
    %mul3A_233 = arith.mulf %convert_element_type3A_232, %div3A_63 : vector<1x2048xf32>
    %reduce_sum3A_234 = vector.shape_cast %mul3A_233 : vector<1x2048xf32> to vector<1x1x2048xf32>
    %reduce_sum3A_235 = arith.constant dense<0.000000e+00> : vector<1xf32>
    %reduce_sum3A_236 = vector.multi_reduction <add>, %reduce_sum3A_234, %reduce_sum3A_235 [1, 2] : vector<1x1x2048xf32> to vector<1xf32>
    %reduce_sum3A_237 = vector.shape_cast %reduce_sum3A_236 : vector<1xf32> to vector<1x1x1xf32>
    %reduce_sum3A_238 = vector.extract %reduce_sum3A_237[0, 0, 0] : f32 from vector<1x1x1xf32>
    %sub3A_239 = arith.subf %sub3A_152, %reduce_sum3A_217 : f32
    %mul3A_240 = arith.mulf %sub3A_239, %reduce_sum3A_238 : f32
    %add3A_241 = arith.addf %reduce_sum3A_224, %mul3A_240 : f32
    %add3A_242 = arith.addf %reduce_sum3A_23, %add3A_241 : f32
    %lt3A = arith.cmpf olt, %reduce_sum3A_17, %floor3A : f32
    %le3A_243 = arith.cmpf ole, %reduce_sum3A_5, %floor3A : f32
    %select_n3A = arith.select %le3A_243, %reduce_sum3A_11, %add3A_242 : f32
    %select_n3A_244 = arith.select %lt3A, %select_n3A, %reduce_sum3A_23 : f32
    %lt3A_245 = arith.cmpf olt, %reduce_sum3A_17, %floor3A : f32
    %le3A_246 = arith.cmpf ole, %reduce_sum3A_5, %floor3A : f32
    %select_n3A_247 = arith.select %le3A_246, %reduce_sum3A_5, %floor3A : f32
    %select_n3A_248 = arith.select %lt3A_245, %select_n3A_247, %reduce_sum3A_17 : f32
    %lt3A_249 = arith.cmpf olt, %reduce_sum3A_41, %floor3A : f32
    %le3A_250 = arith.cmpf ole, %reduce_sum3A_29, %floor3A : f32
    %select_n3A_251 = arith.select %le3A_250, %reduce_sum3A_35, %add3A_150 : f32
    %select_n3A_252 = arith.select %lt3A_249, %select_n3A_251, %reduce_sum3A_47 : f32
    %lt3A_253 = arith.cmpf olt, %reduce_sum3A_41, %floor3A : f32
    %le3A_254 = arith.cmpf ole, %reduce_sum3A_29, %floor3A : f32
    %select_n3A_255 = arith.select %le3A_254, %reduce_sum3A_29, %floor3A : f32
    %select_n3A_256 = arith.select %lt3A_253, %select_n3A_255, %reduce_sum3A_41 : f32
    %add3A_257 = arith.addf %select_n3A_244, %select_n3A_252 : f32
    %add3A_258 = arith.addf %select_n3A_248, %select_n3A_256 : f32
    %div3A_259 = arith.divf %add3A_257, %add3A_258 : f32
    %swap3A = arith.constant 0 : index
    %swap3A_260 = arith.constant 0 : index
    %swap3A_261 = memref.load %arg2[%swap3A, %swap3A_260] : memref<1x1xf32, #tpu.memory_space<smem>>
    memref.store %div3A_259, %arg2[%swap3A, %swap3A_260] : memref<1x1xf32, #tpu.memory_space<smem>>
    return
  }
}

</mosaic_0001>

<sc_bundles>
// kernel: kernel.5.cloned.1.call-start
scs
__scs_entry_jumppad:
0x0: {  	(pc) =	sbr.rel $0x88, $3  }
0x1: {  	(tag) =	ssettag $0x0;
	lr =	simm.s32 $0x1  }
0x2: {  	[smem:$0x3F9D] =	sst lr;
	_ =	strace $0xD0000000  }
0x3: {  	_ = 	snop  }
0x4: {  	_ = 	snop  }
0x5: {  	_ = 	snop  }
0x6: {  	_ = 	snop  }
0x7: {  	_ = 	snop  }
__scs_overlays_trampoline_lowered:
0x8: {  	[smem:$0x3FAC] =	sst s0  }
0x9: {  	[smem:$0x3FAD] =	sst s1  }
0xa: {  	[smem:$0x3FAE] =	sst s2  }
0xb: {  	[smem:$0x3FAF] =	sst s3  }
0xc: {  	[smem:$0x3FB0] =	sst s4  }
0xd: {  	[smem:$0x3FB1] =	sst s5  }
0xe: {  	[smem:$0x3FB2] =	sst s6  }
0xf: {  	[smem:$0x3FB3] =	sst s7  }
0x10: {  	[smem:$0x3FB4] =	sst s8  }
0x11: {  	[smem:$0x3FB5] =	sst s9;
	s0 =	simm.s32 @!p0 $0x0  }
0x12: {  	s1 =	sld [smem:$0x3F9B];
	s0 =	simm.s32 @p0 $0x1  }
0x13: {  	[smem:$0x3FB6] =	sst s0;
	s0 =	simm.s32 @!p1 $0x0  }
0x14: {  	s2 =	sld [smem:$0x3F9A];
	s0 =	simm.s32 @p1 $0x1  }
0x15: {  	[smem:$0x3FB7] =	sst s0;
	s0 =	simm.s32 @!p2 $0x0  }
0x16: {  	s3 =	sld [smem:$0x3FDB];
	s0 =	simm.s32 @p2 $0x1  }
0x17: {  	s4 =	simm.s32 $0x1BF5;
	[smem:$0x3FB9] =	sst s0  }
0x18: {  	s0 =	sld [smem:$0x3F9C];
	_ =	swait.ge [sflag:s4], $0x0  }
0x19: {  	s7 =	sld [smem:$0x3F9D]  }
0x1a: {  	s8 =	sadd.s32 $0xFFFFE003, lr  }
0x1b: {  	s9 =	sadd.s32 $0xFFFFFEF7, lr;
	s5 =	simm.s32 $0xFFFFFFFF;
	p2 =	slt.u32 s8, $0xFFFFF086  }
0x1c: {  	p1 =	slt.u32 s9, $0xF7A;
	s5 =	simm.s32 @!p2 $0x0  }
0x1d: {  	s5 =	simm.s32 @p1 $0x1;
	p0 =	seq.s32 s7, s2  }
0x1e: {  	s7 =	smul.u32 @!p0 $0xF7A, s2;
	p2 =	seq.s32 @!p0 s5, $0x0  }
0x1f: {  	s9 =	smul.u32 $0xF7A, s1;
	s8 =	simm.s32 @!p0 $0x1BF5;
	p2 =	por !p2, p0  }
0x20: {  	[sflag:s8] =	ssyncset.s32 @!p0 $0xFFFFF086;
	s6 =	sadd.s32 @!p0 s3, s7;
	s7 =	simm.s32 @!p0 $0x108  }
0x21: {  	s3 =	sadd.s32 s3, s9;
	s6 =	sadd.s32 @!p0 $0x88, s6;
	s7 =	simm.s32 @p2 $0x1082  }
0x22: {  	[simem:s7], [sflag:s8] =	dma.local @!p0 [hbm:s6], $0xF7A  }
0x23: {  	s9 =	sor.u32 $0xD0000000, s2;
	s6 =	simm.s32 $0x108;
	_ =	swait.ge @!p0 [sflag:s8], $0x0  }
0x24: {  	s3 =	sadd.s32 $0x88, s3;
	s6 =	simm.s32 @!p1 $0x1082;
	[sflag:s4] =	ssyncset.s32 $0xFFFFF086  }
0x25: {  	[simem:s6], [sflag:s4] =	dma.local [hbm:s3], $0xF7A  }
0x26: {  	[smem:$0x3F9D] =	sst s1;
	(tag) =	ssettag s2;
	_ =	strace s9  }
0x27: {  	s1 =	sld [smem:$0x3FAD]  }
0x28: {  	s2 =	sld [smem:$0x3FAE]  }
0x29: {  	s4 =	sld [smem:$0x3FB0]  }
0x2a: {  	p0 =	seq.s32 s5, $0x0;
	s5 =	sld [smem:$0x3FB1]  }
0x2b: {  	s6 =	sld [smem:$0x3FB2]  }
0x2c: {  	s7 =	sld [smem:$0x3FB3]  }
0x2d: {  	s3 =	simm.s32 $0x108;
	s8 =	sld [smem:$0x3FB4]  }
0x2e: {  	s3 =	simm.s32 @!p0 $0x1082;
	s9 =	sld [smem:$0x3FB5]  }
0x2f: {  	lr =	sadd.s32 s0, s3;
	s0 =	sld [smem:$0x3FAC]  }
0x30: {  	s3 =	sld [smem:$0x3FAF]  }
0x31: {  	[smem:$0x3FB8] =	sst s10  }
0x32: {  	s10 =	sld [smem:$0x3FB6];
	_ =	sdelay $0x3  }
0x33: {  	p0 =	seq.s32 s10, $0x1;
	s10 =	sld [smem:$0x3FB8];
	_ =	sdelay $0x3  }
0x34: {  	[smem:$0x3FB8] =	sst s10  }
0x35: {  	s10 =	sld [smem:$0x3FB7];
	_ =	sdelay $0x3  }
0x36: {  	p1 =	seq.s32 s10, $0x1;
	s10 =	sld [smem:$0x3FB8];
	_ =	sdelay $0x3  }
0x37: {  	[smem:$0x3FB8] =	sst s10  }
0x38: {  	s10 =	sld [smem:$0x3FB9]  }
0x39: {  	_ = 	snop;
	(pc) =	sbr.ind lr, $3  }
0x3a: {  	_ = 	snop  }
0x3b: {  	_ = 	snop  }
0x3c: {  	p2 =	seq.s32 s10, $0x1;
	s10 =	sld [smem:$0x3FB8]  }
0x3d: {  	_ =	shalt  }
0x3e: {  	_ =	shalt  }
0x3f: {  	_ =	shalt  }
0x40: {  	_ =	shalt  }
0x41: {  	_ =	shalt  }
0x42: {  	_ =	shalt  }
0x43: {  	_ =	shalt  }
0x44: {  	_ =	shalt  }
0x45: {  	_ =	shalt  }
0x46: {  	_ =	shalt  }
0x47: {  	_ =	shalt  }
0x48: {  	_ =	shalt  }
0x49: {  	_ =	shalt  }
0x4a: {  	_ =	shalt  }
0x4b: {  	_ =	shalt  }
0x4c: {  	_ =	shalt  }
0x4d: {  	_ =	shalt  }
0x4e: {  	_ =	shalt  }
0x4f: {  	_ =	shalt  }
0x50: {  	_ =	shalt  }
0x51: {  	_ =	shalt  }
0x52: {  	_ =	shalt  }
0x53: {  	_ =	shalt  }
0x54: {  	_ =	shalt  }
0x55: {  	_ =	shalt  }
0x56: {  	_ =	shalt  }
0x57: {  	_ =	shalt  }
0x58: {  	_ =	shalt  }
0x59: {  	_ =	shalt  }
0x5a: {  	_ =	shalt  }
0x5b: {  	_ =	shalt  }
0x5c: {  	_ =	shalt  }
0x5d: {  	_ =	shalt  }
0x5e: {  	_ =	shalt  }
0x5f: {  	_ =	shalt  }
0x60: {  	_ =	shalt  }
0x61: {  	_ =	shalt  }
0x62: {  	_ =	shalt  }
0x63: {  	_ =	shalt  }
0x64: {  	_ =	shalt  }
0x65: {  	_ =	shalt  }
0x66: {  	_ =	shalt  }
0x67: {  	_ =	shalt  }
0x68: {  	_ =	shalt  }
0x69: {  	_ =	shalt  }
0x6a: {  	_ =	shalt  }
0x6b: {  	_ =	shalt  }
0x6c: {  	_ =	shalt  }
0x6d: {  	_ =	shalt  }
0x6e: {  	_ =	shalt  }
0x6f: {  	_ =	shalt  }
0x70: {  	_ =	shalt  }
0x71: {  	_ =	shalt  }
0x72: {  	_ =	shalt  }
0x73: {  	_ =	shalt  }
0x74: {  	_ =	shalt  }
0x75: {  	_ =	shalt  }
0x76: {  	_ =	shalt  }
0x77: {  	_ =	shalt  }
0x78: {  	_ =	shalt  }
0x79: {  	_ =	shalt  }
0x7a: {  	_ =	shalt  }
0x7b: {  	_ =	shalt  }
0x7c: {  	_ =	shalt  }
0x7d: {  	_ =	shalt  }
0x7e: {  	_ =	shalt  }
0x7f: {  	_ =	shalt  }
0x80: {  	_ =	shalt  }
0x81: {  	_ =	shalt  }
0x82: {  	_ =	shalt  }
0x83: {  	_ =	shalt  }
0x84: {  	_ =	shalt  }
0x85: {  	_ =	shalt  }
0x86: {  	_ =	shalt  }
0x87: {  	_ =	shalt  }
.Lfunc_end0:
.L_simem_size_0:
called_computation_lowered:
.L_overlay_start_0:
0x88: {  	s2 =	sld [smem:$0x3FD9]  }
0x89: {  	s3 =	sld [smem:$0x3FFE];
	_ =	sdelay $0x1  }
0x8a: {  	s1 =	srdreg.scid  }
0x8b: {  	s0 =	sand.u32 $0x1, s1  }
0x8c: {  	s16 =	sshll.u32 s0, $0xA;
	s2 =	sadd.s32 s3, s2  }
0x8d: {  	s2 =	sadd.s32 s2, s16  }
0x8e: {  	[smem:$0x3FC4] =	sst s2  }
0x8f: {  	_ = 	snop  }
0x90: {  	(tm) =	ssettm $0x1  }
0x91: {  	s17 =	sld [smem:$0x3FFB];
	_ =	sdelay $0x3  }
0x92: {  	_ =	strace s17  }
0x93: {  	s2 =	sld [smem:$0x3FFC];
	_ =	sdelay $0x3  }
0x94: {  	_ =	strace s2  }
0x95: {  	s2 =	sld [smem:$0x3FFD];
	_ =	sdelay $0x3  }
0x96: {  	_ =	strace s2  }
0x97: {  	_ =	strace $0x8FFFFFFF  }
0x98: {  	s18 =	sld [smem:$0x3FDB];
	_ =	sdelay $0x1  }
0x99: {  	s19 =	simm.s32 $_scs_section_size  }
0x9a: {  	s4 =	simm.s32 $_size__tile_overlayer_lowered;
	s5 =	simm.s32 $_tile_overlayer_lowered  }
0x9b: {  	s22 =	simm.s32 $0x1BFF;
	s21 =	sshll.u32 s5, $0x1;
	s2 =	sadd.s32 s19, s18  }
0x9c: {  	s6 =	simm.s32 $0x0;
	s20 =	sshll.u32 s4, $0x1;
	s4 =	sadd.s32 s21, s2  }
0x9d: {  	[timem:s6], [sflag:s22] =	dma.local [hbm:s4], s20  }
0x9e: {  	_ =	swait.ge [sflag:s22], s20  }
0x9f: {  	s3 =	ssub.s32 $0x0, s20;
	[sflag:s22] =	ssyncset.done $0x0  }
0xa0: {  	[sflag:s22] =	ssyncadd.s32 s3;
	_ =	sdelay $0x1  }
0xa1: {  	s23 =	simm.s32 $0x1B8B  }
0xa2: {  	_ =	swait.ge [sflag:s23], $0x1  }
0xa3: {  	[sflag:s23] =	ssyncset.done $0x0  }
0xa4: {  	s25 =	simm.s32 $0x1B8E;
	s24 =	sld [smem:$0x3FFE];
	[sflag:s23] =	ssyncadd.s32 $0xFFFFFFFF  }
0xa5: {  	s26 =	simm.s32 $execute0_lowered;
	[smem:$0x3FD2] =	sst s25  }
0xa6: {  	s4 =	sshll.u32 s26, $0x1;
	_ =	strace $0x80000046;
	[dreg:$0x1] =	wrdreg $0xFFFFFFFF  }
0xa7: {  	s28 =	simm.s32 $_size_execute0_lowered;
	s2 =	sadd.s32 s2, s4;
	[dreg:$0x0] =	wrdreg $0x0  }
0xa8: {  	s4 =	sshll.u32 s28, $0x1;
	[dreg:$0x2] =	wrdreg s2  }
0xa9: {  	[dreg:$0x3] =	wrdreg s4  }
0xaa: {  	[dreg:$0x4] =	wrdreg $0xC0  }
0xab: {  	_ =	task [dreg:s6], $0x5FFFF  }
0xac: {  	[dreg:$0x1] =	wrdreg $0xFFFFFFFF  }
0xad: {  	[dreg:$0x0] =	wrdreg $0x60  }
0xae: {  	[dreg:$0x2] =	wrdreg s24  }
0xaf: {  	[dreg:$0x3] =	wrdreg $0x9  }
0xb0: {  	_ =	task.clear_ibuf [dreg:s6], $0x4FFFF;
	_ =	strace $0x90000046  }
0xb1: {  	s29 =	simm.s32 $0x9;
	_ =	strace $0x80000048  }
0xb2: {  	_ =	swait.ge [sflag:s29], $0x1  }
0xb3: {  	[sflag:s29] =	ssyncadd.s32 $0xFFFFFFFF  }
0xb4: {  	_ =	strace $0x90000048  }
0xb5: {  	_ =	sfence  }
0xb6: {  	s30 =	sld [smem:$0x0];
	_ =	sdelay $0x2  }
0xb7: {  	s31 =	sshll.u32 s1, $0xD;
	s1 =	sshrl.u32 s1, $0x2  }
0xb8: {  	s3 =	sand.u32 $0x4000, s31;
	s1 =	sadd.s32 s1, s30  }
0xb9: {  	s0 =	sor.u32 s3, s0;
	s1 =	sshll.u32 s1, $0x11  }
0xba: {  	s0 =	sor.u32 s1, s0  }
0xbb: {  	s0 =	sadd.s32 $0x8F2B, s0  }
0xbc: {  	[sflag:s0] =	ssyncadd.remote.s32 $0x1  }
0xbd: {  	_ =	sfence.sel $0xFFFF  }
0xbe: {  	[dreg:$0x0] =	wrdreg $0xFFFFFFFF;
	(pc) =	sbr.abs _section_cstart, $3  }
0xbf: {  	[dreg:$0x1] =	wrdreg $0xFFFFFFFF  }
0xc0: {  	_ =	task.clear_ibuf [dreg:s6], $0x2FFFF;
	_ =	strace $0x9FFFFFFF  }
0xc1: {  	(tm) =	ssettm $0x7FFFFFFF  }
tec
execute0_lowered:
.L_overlay_start_1:
0x0: {  	(tag) =	ssettag $0x1  }
0x1: {  	s1 =	srdreg.scid  }
0x2: {  	s0 =	stileid.u32;
	s4 =	rddreg [dreg:$0x0];
	s2 =	simm.s32 $0x0  }
0x3: {  	s7 =	simm.s32 $0x8000;
	s3 =	sand.u32 $0x1, s1;
	s30 =	sshll.u32 s0, $0x1  }
0x4: {  	s8 =	simm.s32 $0x80;
	s9 =	simm.s32 $0x400;
	s1 =	sor.u32 s3, s30  }
0x5: {  	s10 =	simm.s32 $0x0;
	s5 =	sshll.u32 s1, $0xC;
	s6 =	sshll.u32 s1, $0x7  }
0x6: {  	[smem:$0x7FF] =	sst s2;
	s3 =	ssub.s32 $0x2, s3;
	s6 =	sor.u32 s6, s5  }
0x7: {  	s1 =	rddreg [dreg:$0x1];
	_ =	strace $0x80000047;
	s6 =	sand.u32 $0x18380, s6  }
0x8: {  	s31 =	sshrl.u32 s3, $0x1;
	s5 =	sadd.s32 s5, s4;
	s6 =	sshrl.u32 s6, $0x3  }
0x9: {  	s4 =	sadd.s32 s6, s4;
	s6 =	ssub.s32 s3, s31;
	s3 =	sadd.s32 $0xE00, s5  }
0xa: {  	v0 =	vimm.f32 $0.0e+00;
	v1 =	vimm.f32 $1.000000000e+00;
	s4 =	sadd.s32 $0x20E00, s4;
	s5 =	smax.u32 s6, $0x1;
	s6 =	simm.s32 $0x1  }
.LBB2_1:
0xb: {  	[tilespmem:s2], [sflag:$0x1] =	stream.linear.gather [hbm4b:s3+s2], $0x8000, $0x38;
	[tilespmem:$0x9000] =	vst v63  }
0xc: {  	_ =	swait.ge [sflag:s6], $0x8000  }
0xd: {  	[sflag:s6] =	ssyncset.done $0x0  }
0xe: {  	s11 =	simm.s32 $0x0;
	[sflag:s6] =	ssyncadd.s32 $0xFFFF8000  }
.LBB2_2:
0xf: {  	p0 =	sne.s32 s11, $0x3FC0  }
.Ltmp0:
0x10: {  	_ = 	snop;
	(pc) =	sbr.rel @p0 .LBB2_2-.Ltmp0, $3  }
0x11: {  	_ =	sdelay $0x1  }
0x12: {  	s12 =	sshra.s32 s11, $0x2  }
0x13: {  	s11 =	sadd.s32 $0x40, s11;
	[tilespmem:s12+$0x8000] =	vst v0  }
0x14: {  	s11 =	simm.s32 $0x0  }
.LBB2_4:
0x15: {  	s12 =	sshra.s32 s11, $0x2  }
0x16: {  	v2 =	vld [tilespmem:s12+$0x0];
	_ =	sdelay $0x4  }
0x17: {  	vm0 =	vgt.s32 v2, $0xFFFFFFFF;
	vm1 =	vgt.s32 v2, $0x0  }
0x18: {  	v2 =	vnsel vm1, $0x0, v2;
	_ =	sdelay $0x4  }
0x19: {  	[tilespmem:v2+s7+$0x0] =	vst.idx.add.f32.msk vm0, v1  }
0x1a: {  	v2 =	vld [tilespmem:s12+$0x10];
	_ =	sdelay $0x4  }
0x1b: {  	vm14 =	vgt.s32 v2, $0xFFFFFFFF;
	vm15 =	vgt.s32 v2, $0x0  }
0x1c: {  	v2 =	vnsel vm15, $0x0, v2;
	_ =	sdelay $0x4  }
0x1d: {  	[tilespmem:v2+s7+$0x0] =	vst.idx.add.f32.msk vm14, v1  }
0x1e: {  	v2 =	vld [tilespmem:s12+$0x20];
	_ =	sdelay $0x4  }
0x1f: {  	vm4 =	vgt.s32 v2, $0xFFFFFFFF;
	vm5 =	vgt.s32 v2, $0x0  }
0x20: {  	v2 =	vnsel vm5, $0x0, v2;
	_ =	sdelay $0x4  }
0x21: {  	[tilespmem:v2+s7+$0x0] =	vst.idx.add.f32.msk vm4, v1  }
0x22: {  	v2 =	vld [tilespmem:s12+$0x30];
	_ =	sdelay $0x4  }
0x23: {  	vm6 =	vgt.s32 v2, $0xFFFFFFFF;
	vm7 =	vgt.s32 v2, $0x0  }
0x24: {  	v2 =	vnsel vm7, $0x0, v2;
	_ =	sdelay $0x4  }
0x25: {  	[tilespmem:v2+s7+$0x0] =	vst.idx.add.f32.msk vm6, v1  }
0x26: {  	v2 =	vld [tilespmem:s12+$0x40];
	_ =	sdelay $0x4  }
0x27: {  	vm8 =	vgt.s32 v2, $0xFFFFFFFF;
	vm9 =	vgt.s32 v2, $0x0  }
0x28: {  	v2 =	vnsel vm9, $0x0, v2;
	_ =	sdelay $0x4  }
0x29: {  	[tilespmem:v2+s7+$0x0] =	vst.idx.add.f32.msk vm8, v1  }
0x2a: {  	v2 =	vld [tilespmem:s12+$0x50];
	_ =	sdelay $0x4  }
0x2b: {  	vm10 =	vgt.s32 v2, $0xFFFFFFFF;
	vm11 =	vgt.s32 v2, $0x0  }
0x2c: {  	v2 =	vnsel vm11, $0x0, v2;
	_ =	sdelay $0x4  }
0x2d: {  	[tilespmem:v2+s7+$0x0] =	vst.idx.add.f32.msk vm10, v1  }
0x2e: {  	v2 =	vld [tilespmem:s12+$0x60];
	_ =	sdelay $0x4  }
0x2f: {  	vm12 =	vgt.s32 v2, $0xFFFFFFFF;
	vm13 =	vgt.s32 v2, $0x0  }
0x30: {  	v2 =	vnsel vm13, $0x0, v2;
	_ =	sdelay $0x4  }
0x31: {  	[tilespmem:v2+s7+$0x0] =	vst.idx.add.f32.msk vm12, v1  }
0x32: {  	v2 =	vld [tilespmem:s12+$0x70];
	_ =	sdelay $0x4  }
0x33: {  	vm14 =	vgt.s32 v2, $0xFFFFFFFF;
	vm15 =	vgt.s32 v2, $0x0  }
0x34: {  	p0 =	sne.s32 s11, $0x1FE00;
	v2 =	vnsel vm15, $0x0, v2  }
.Ltmp1:
0x35: {  	_ = 	snop;
	(pc) =	sbr.rel @p0 .LBB2_4-.Ltmp1, $2  }
0x36: {  	_ =	sdelay $0x2  }
0x37: {  	s11 =	sadd.s32 $0x200, s11;
	[tilespmem:v2+s7+$0x0] =	vst.idx.add.f32.msk vm14, v1  }
0x38: {  	s10 =	sadd.s32 $0x1, s10  }
0x39: {  	p0 =	sne.s32 s10, s5  }
.Ltmp2:
0x3a: {  	_ = 	snop;
	(pc) =	sbr.rel @p0 .LBB2_1-.Ltmp2, $4  }
0x3b: {  	[hbm4b:s4+s8] =	stream.strided.scatter [tilespmem:s7], [sflag:$0x1], $0x1000, s9, s8, $0x38;
	[tilespmem:$0x9000] =	vst v63  }
0x3c: {  	_ =	swait.ge [sflag:s6], $0x1000  }
0x3d: {  	[sflag:s6] =	ssyncset.done $0x0  }
0x3e: {  	[sflag:s6] =	ssyncadd.s32 $0xFFFFF000  }
0x3f: {  	_ =	sfence.sel $0x180000  }
0x40: {  	[bflag:$0x0] =	sbarrier.arrive $0xFFFF  }
0x41: {  	p0 =	sne.s32 s0, $0x0;
	_ =	strace $0x90000047  }
0x42: {  	s0 =	sadd.s32 @!p0 $0x100000, s1;
	[bflag:$0x2] =	sbarrier.arrive $0xFFFF  }
0x43: {  	[sflag:s0] =	ssyncadd.tile.s32 @!p0 $0x1;
	_ =	shalt  }
.Lfunc_end2:
_tile_overlayer_lowered:
.L_overlay_start_2:
0x44: {  	(tag) =	ssettag $0x2  }
0x45: {  	s0 =	rddreg [dreg:$0x0];
	s2 =	stileid.u32  }
0x46: {  	s1 =	rddreg [dreg:$0x1];
	p0 =	sne.s32 s2, $0x0  }
0x47: {  	s3 =	rddreg [dreg:$0x2];
	[bflag:$0x3] =	sbarrier.arrive $0xFFFF;
	s2 =	simm.s32 @!p0 $0x1C01  }
0x48: {  	[timem:s3], [sflag:s2] =	dma.local @!p0 [hbm:s0], s1  }
0x49: {  	s0 =	simm.s32 @!p0 $0x1  }
0x4a: {  	_ =	swait.ge @!p0 [sflag:s0], s1  }
0x4b: {  	s1 =	ssub.s32 @!p0 $0x0, s1;
	[sflag:s0] =	ssyncset.done @!p0 $0x0  }
0x4c: {  	[sflag:s0] =	ssyncadd.s32 @!p0 s1  }
0x4d: {  	[bflag:$0x3] =	sbarrier.arrive $0xFFFF  }
0x4e: {  	_ =	shalt  }

</sc_bundles>
